<compile_context>
chip_gen: v7x
topology: tpu7x:2x2x1
jax: 0.10.2.dev20260603
libtpu: 0.0.44.dev20260713+nightly
codegen_flags: <defaults>
</compile_context>

<pallas_src>
import functools

import jax
import jax.numpy as jnp
from jax import lax
from jax.experimental import pallas as pl
from jax.experimental.pallas import tpu as pltpu
from jax.experimental.pallas import tpu_sc as plsc

D = 1024
S = 512
N_TOK = 32768
NC = 2
NW = 32
NSPLIT = 2
TOK_SPLIT = N_TOK // NSPLIT
TOK_PER_W = TOK_SPLIT // NW
C = 32
NCH = TOK_PER_W // C
NBUF = 3
R = 1024


def _sc_gather_body(ids, tok_tab, out, ids_v, idx3, tok3, semg, sems):
    wid = lax.axis_index("s") * NC + lax.axis_index("c")
    w_base = wid * TOK_PER_W
    pltpu.sync_copy(ids.at[pl.ds(w_base, TOK_PER_W)], ids_v)

    def issue_g(cc, b):
        idx3[b, ...] = ids_v[pl.ds(cc * C, C)]
        pltpu.async_copy(tok_tab.at[idx3.at[b]], tok3.at[b], semg.at[b])

    def wait_g(b):
        pltpu.make_async_copy(tok_tab.at[idx3.at[b]], tok3.at[b],
                              semg.at[b]).wait()

    def wait_s(b):
        pltpu.make_async_copy(tok3.at[b], out.at[pl.ds(w_base, C)],
                              sems.at[b]).wait()

    issue_g(0, 0)
    issue_g(1, 1)

    def chunk_body(cc, carry):
        b, b1, b2 = carry

        @pl.when(cc + 2 < NCH)
        def _():
            issue_g(cc + 2, b2)

        wait_g(b)
        pltpu.sync_copy(tok3.at[b], out.at[pl.ds(w_base + cc * C, C)])
        return (b1, b2, b)

    lax.fori_loop(0, NCH, chunk_body,
                  (jnp.int32(0), jnp.int32(1), jnp.int32(2)))


_sc_gather = functools.partial(
    pl.kernel,
    mesh=plsc.VectorSubcoreMesh(core_axis_name="c", subcore_axis_name="s"),
    out_type=jax.ShapeDtypeStruct((TOK_SPLIT, D), jnp.float32),
    scratch_types=(
        [pltpu.VMEM((TOK_PER_W,), jnp.int32)]
        + [pltpu.VMEM((NBUF, C), jnp.int32)]
        + [pltpu.VMEM((NBUF, C, D), jnp.float32)]
        + [pltpu.SemaphoreType.DMA((NBUF,))] * 2
    ),
)(_sc_gather_body)


def _ln_body(emb_ref, pos_ref, seg_ref, ttf_ref, gam_ref, bet_ref, out_ref):
    s0 = seg_ref[0]
    sd = seg_ref[1] - seg_ref[0]
    x = emb_ref[...] + pos_ref[...] + s0 + ttf_ref[...] * sd
    mean = jnp.mean(x, axis=1, keepdims=True)
    ex2 = jnp.mean(x * x, axis=1, keepdims=True)
    var = ex2 - mean * mean
    rstd = lax.rsqrt(var + jnp.float32(1e-12))
    out_ref[...] = (x - mean) * rstd * gam_ref[...] + bet_ref[...]


def _tc_ln(emb, pos_table, seg_table, ttf, ln_gamma, ln_beta):
    grid = (TOK_SPLIT // R,)
    if R > S:
        pos_table = jnp.tile(pos_table, (R // S, 1))
    pos_blocks = max(1, S // R)
    return pl.pallas_call(
        _ln_body,
        grid=grid,
        in_specs=[
            pl.BlockSpec((R, D), lambda i: (i, 0)),
            pl.BlockSpec((R, D), lambda i: (i % pos_blocks, 0)),
            pl.BlockSpec((2, 1, D), lambda i: (0, 0, 0)),
            pl.BlockSpec((R, 1), lambda i: (i, 0)),
            pl.BlockSpec((1, D), lambda i: (0, 0)),
            pl.BlockSpec((1, D), lambda i: (0, 0)),
        ],
        out_specs=pl.BlockSpec((R, D), lambda i: (i, 0)),
        out_shape=jax.ShapeDtypeStruct((TOK_SPLIT, D), jnp.float32),
    )(emb, pos_table, seg_table.reshape(2, 1, D), ttf,
      ln_gamma.reshape(1, D), ln_beta.reshape(1, D))


def kernel(input_ids, token_type_ids, tok_table, pos_table, seg_table,
           ln_gamma, ln_beta):
    B, Sq = input_ids.shape
    ids = input_ids.reshape(NSPLIT, TOK_SPLIT)
    ttf = token_type_ids.reshape(NSPLIT, TOK_SPLIT, 1).astype(jnp.float32)
    embs = [_sc_gather(ids[h], tok_table) for h in range(NSPLIT)]
    outs = [_tc_ln(embs[h], pos_table, seg_table, ttf[h],
                   ln_gamma, ln_beta) for h in range(NSPLIT)]
    return jnp.concatenate(outs, axis=0).reshape(B, Sq, D)

# --- scband reference (transcript-rebuilt; emitter-appended) ---
"""Pipeline reference for scband-bert-embeddings-32633161515015 (READ-ONLY COPY).

The authoritative reference and input builder live on the scoring server;
editing this copy changes nothing except your own understanding.
"""

import jax, jax.numpy as jnp
import numpy as np

VOCAB = 30522
D_MODEL = 1024
MAX_SEQ = 512
BATCH = 64
SEQ = 512

def setup_inputs(seed: int = 0) -> dict:
    key = jax.random.key(seed)
    k1, k2, k3, k4, k5 = jax.random.split(key, 5)
    input_ids = jax.random.randint(k1, (BATCH, SEQ), 0, VOCAB, dtype=jnp.int64 if jax.config.jax_enable_x64 else jnp.int32).astype(jnp.int32)
    token_type_ids = jax.random.randint(k2, (BATCH, SEQ), 0, 2).astype(jnp.int32)
    tok_table = jax.random.normal(k3, (VOCAB, D_MODEL), dtype=jnp.float32) * 0.02
    pos_table = jax.random.normal(k4, (MAX_SEQ, D_MODEL), dtype=jnp.float32) * 0.02
    seg_table = jax.random.normal(k5, (2, D_MODEL), dtype=jnp.float32) * 0.02
    ln_gamma = jnp.ones((D_MODEL,), dtype=jnp.float32)
    ln_beta = jnp.zeros((D_MODEL,), dtype=jnp.float32)
    return {
        'input_ids': input_ids,
        'token_type_ids': token_type_ids,
        'tok_table': tok_table,
        'pos_table': pos_table,
        'seg_table': seg_table,
        'ln_gamma': ln_gamma,
        'ln_beta': ln_beta,
    }

def reference(input_ids, token_type_ids, tok_table, pos_table, seg_table, ln_gamma, ln_beta):
    B, S = input_ids.shape
    # Token embeddings: gather rows from vocab table
    tok_emb = jnp.take(tok_table, input_ids, axis=0)          # [B, S, D]
    # Position embeddings: positions 0..S-1, broadcast over batch
    positions = jnp.arange(S, dtype=jnp.int32)
    pos_emb = jnp.take(pos_table, positions, axis=0)[None, :, :]  # [1, S, D]
    # Segment embeddings
    seg_emb = jnp.take(seg_table, token_type_ids, axis=0)     # [B, S, D]
    emb = tok_emb + pos_emb + seg_emb
    # LayerNorm over last dim (eps=1e-12, BERT default)
    mean = jnp.mean(emb, axis=-1, keepdims=True)
    var = jnp.mean(jnp.square(emb - mean), axis=-1, keepdims=True)
    normed = (emb - mean) / jnp.sqrt(var + 1e-12)
    out = normed * ln_gamma + ln_beta
    # Dropout is identity in eval mode
    return out

if __name__ == "__main__":
    import jax
    _d = setup_inputs()
    print(jax.jit(kernel)(*tuple(_d.values())))

</pallas_src>

<mosaic_0001>
#map = affine_map<(d0, d1) -> (0)>
#map1 = affine_map<(d0, d1) -> (0, 0)>
module attributes {stable_mosaic.version = 14 : i64} {
  func.func @_sc_gather_body(%arg0: i32, %arg1: i32, %arg2: memref<16384xi32, #tpu.memory_space<hbm>>, %arg3: memref<30522x1024xf32, #tpu.memory_space<hbm>>, %arg4: memref<16384x1024xf32, #tpu.memory_space<hbm>>, %arg5: memref<512xi32, #tpu.memory_space<vmem>>, %arg6: memref<3x32xi32, #tpu.memory_space<vmem>>, %arg7: memref<3x32x1024xf32, #tpu.memory_space<vmem>>, %arg8: memref<3x!tpu.dma_semaphore, #tpu.memory_space<semaphore_mem>>, %arg9: memref<3x!tpu.dma_semaphore, #tpu.memory_space<semaphore_mem>>) attributes {dimension_semantics = [#tpu.dimension_semantics<core_parallel>, #tpu.dimension_semantics<subcore_parallel>], iteration_bounds = array<i64: 2, 16>, scalar_prefetch = 0 : i64, scratch_operands = 5 : i64, tpu.core_type = #tpu.core_type<sc_vector_subcore>, window_params = [{transform_indices = #map}, {transform_indices = #map1}, {transform_indices = #map1}]} {
    %mul3A = arith.constant 2 : i32
    %mul3A_0 = arith.muli %arg1, %mul3A : i32
    %add3A = arith.addi %mul3A_0, %arg0 : i32
    %mul3A_1 = arith.constant 512 : i32
    %mul3A_2 = arith.muli %add3A, %mul3A_1 : i32
    "tpu.region"() ({
      %run_scoped3A = tpu.sem_alloc : memref<!tpu.dma_semaphore, #tpu.memory_space<semaphore_mem>>
      %dma_start3A_56 = tpu.memref_slice %arg2[%mul3A_2] : memref<16384xi32, #tpu.memory_space<hbm>> -> memref<512xi32, #tpu.memory_space<hbm>>
      %dma_start3A_57 = tpu.memref_slice %arg2[%mul3A_2] : memref<16384xi32, #tpu.memory_space<hbm>> -> memref<512xi32, #tpu.memory_space<hbm>>
      tpu.enqueue_dma source(%dma_start3A_57 : memref<512xi32, #tpu.memory_space<hbm>>) target(%arg5 : memref<512xi32, #tpu.memory_space<vmem>>) target_semaphore(%run_scoped3A : memref<!tpu.dma_semaphore, #tpu.memory_space<semaphore_mem>>)
      %dma_wait3A = tpu.memref_slice %arg2[%mul3A_2] : memref<16384xi32, #tpu.memory_space<hbm>> -> memref<512xi32, #tpu.memory_space<hbm>>
      %dma_wait3A_58 = tpu.memref_slice %arg2[%mul3A_2] : memref<16384xi32, #tpu.memory_space<hbm>> -> memref<512xi32, #tpu.memory_space<hbm>>
      tpu.wait_dma2 semaphore(%run_scoped3A : memref<!tpu.dma_semaphore, #tpu.memory_space<semaphore_mem>>) src(%dma_wait3A_58 : memref<512xi32, #tpu.memory_space<hbm>>) dst(%arg5 : memref<512xi32, #tpu.memory_space<vmem>>)
      tpu.yield
    }) : () -> ()
    %get3A = arith.constant 0 : index
    %get3A_3 = tpu.vector_load %arg5[%get3A] {strides = array<i32>} : memref<512xi32, #tpu.memory_space<vmem>>, vector<32xi32>,
    %get3A_4 = vector.shape_cast %get3A_3 : vector<32xi32> to vector<32xi32>
    %swap3A = arith.constant 0 : i32
    %swap3A_5 = arith.index_cast %swap3A : i32 to index
    %swap3A_6 = arith.constant 0 : index
    %swap3A_7 = tpu.vector_load %arg6[%swap3A_5, %swap3A_6] {strides = array<i32>} : memref<3x32xi32, #tpu.memory_space<vmem>>, vector<1x32xi32>,
    %swap3A_8 = vector.shape_cast %swap3A_7 : vector<1x32xi32> to vector<32xi32>
    %swap3A_9 = vector.shape_cast %get3A_4 : vector<32xi32> to vector<1x32xi32>
    tpu.vector_store %arg6[%swap3A_5, %swap3A_6], %swap3A_9 {strides = array<i32>} : memref<3x32xi32, #tpu.memory_space<vmem>>, vector<1x32xi32>,
    %dma_start3A = arith.constant 0 : i32
    %dma_start3A_10 = arith.constant 0 : i32
    %dma_start3A_11 = arith.constant 0 : i32
    %dma_start3A_12 = arith.constant 0 : i32
    %dma_start3A_13 = arith.constant 0 : i32
    %dma_start3A_14 = tpu.memref_slice %arg7[%dma_start3A_10, %dma_start3A_12, %dma_start3A_13] : memref<3x32x1024xf32, #tpu.memory_space<vmem>> -> memref<1x32x1024xf32, #tpu.memory_space<vmem>>
    %dma_start3A_15 = tpu.memref_squeeze %dma_start3A_14 : memref<1x32x1024xf32, #tpu.memory_space<vmem>> -> memref<32x1024xf32, #tpu.memory_space<vmem>>
    %dma_start3A_16 = arith.constant 0 : i32
    %dma_start3A_17 = tpu.memref_slice %arg6[%dma_start3A, %dma_start3A_16] : memref<3x32xi32, #tpu.memory_space<vmem>> -> memref<1x32xi32, #tpu.memory_space<vmem>>
    %dma_start3A_18 = tpu.memref_squeeze %dma_start3A_17 : memref<1x32xi32, #tpu.memory_space<vmem>> -> memref<32xi32, #tpu.memory_space<vmem>>
    %dma_start3A_19 = arith.constant 0 : i32
    %dma_start3A_20 = arith.constant 0 : i32
    %dma_start3A_21 = tpu.memref_slice %arg3[%dma_start3A_19, %dma_start3A_20] : memref<30522x1024xf32, #tpu.memory_space<hbm>> -> memref<30522x1024xf32, #tpu.memory_space<hbm>>
    %dma_start3A_22 = tpu.memref_slice %arg8[%dma_start3A_11] : memref<3x!tpu.dma_semaphore, #tpu.memory_space<semaphore_mem>> -> memref<1x!tpu.dma_semaphore, #tpu.memory_space<semaphore_mem>>
    %dma_start3A_23 = tpu.memref_squeeze %dma_start3A_22 : memref<1x!tpu.dma_semaphore, #tpu.memory_space<semaphore_mem>> -> memref<!tpu.dma_semaphore, #tpu.memory_space<semaphore_mem>>
    tpu.enqueue_indirect_dma source(%dma_start3A_21 : memref<30522x1024xf32, #tpu.memory_space<hbm>>) target(%dma_start3A_15 : memref<32x1024xf32, #tpu.memory_space<vmem>>) offsets(%dma_start3A_18 : memref<32xi32, #tpu.memory_space<vmem>>) semaphore(%dma_start3A_23 : memref<!tpu.dma_semaphore, #tpu.memory_space<semaphore_mem>>)
    %get3A_24 = arith.constant 32 : index
    %get3A_25 = tpu.vector_load %arg5[%get3A_24] {strides = array<i32>} : memref<512xi32, #tpu.memory_space<vmem>>, vector<32xi32>,
    %get3A_26 = vector.shape_cast %get3A_25 : vector<32xi32> to vector<32xi32>
    %swap3A_27 = arith.constant 1 : i32
    %swap3A_28 = arith.index_cast %swap3A_27 : i32 to index
    %swap3A_29 = arith.constant 0 : index
    %swap3A_30 = tpu.vector_load %arg6[%swap3A_28, %swap3A_29] {strides = array<i32>} : memref<3x32xi32, #tpu.memory_space<vmem>>, vector<1x32xi32>,
    %swap3A_31 = vector.shape_cast %swap3A_30 : vector<1x32xi32> to vector<32xi32>
    %swap3A_32 = vector.shape_cast %get3A_26 : vector<32xi32> to vector<1x32xi32>
    tpu.vector_store %arg6[%swap3A_28, %swap3A_29], %swap3A_32 {strides = array<i32>} : memref<3x32xi32, #tpu.memory_space<vmem>>, vector<1x32xi32>,
    %dma_start3A_33 = arith.constant 1 : i32
    %dma_start3A_34 = arith.constant 1 : i32
    %dma_start3A_35 = arith.constant 1 : i32
    %dma_start3A_36 = arith.constant 0 : i32
    %dma_start3A_37 = arith.constant 0 : i32
    %dma_start3A_38 = tpu.memref_slice %arg7[%dma_start3A_34, %dma_start3A_36, %dma_start3A_37] : memref<3x32x1024xf32, #tpu.memory_space<vmem>> -> memref<1x32x1024xf32, #tpu.memory_space<vmem>>
    %dma_start3A_39 = tpu.memref_squeeze %dma_start3A_38 : memref<1x32x1024xf32, #tpu.memory_space<vmem>> -> memref<32x1024xf32, #tpu.memory_space<vmem>>
    %dma_start3A_40 = arith.constant 0 : i32
    %dma_start3A_41 = tpu.memref_slice %arg6[%dma_start3A_33, %dma_start3A_40] : memref<3x32xi32, #tpu.memory_space<vmem>> -> memref<1x32xi32, #tpu.memory_space<vmem>>
    %dma_start3A_42 = tpu.memref_squeeze %dma_start3A_41 : memref<1x32xi32, #tpu.memory_space<vmem>> -> memref<32xi32, #tpu.memory_space<vmem>>
    %dma_start3A_43 = arith.constant 0 : i32
    %dma_start3A_44 = arith.constant 0 : i32
    %dma_start3A_45 = tpu.memref_slice %arg3[%dma_start3A_43, %dma_start3A_44] : memref<30522x1024xf32, #tpu.memory_space<hbm>> -> memref<30522x1024xf32, #tpu.memory_space<hbm>>
    %dma_start3A_46 = tpu.memref_slice %arg8[%dma_start3A_35] : memref<3x!tpu.dma_semaphore, #tpu.memory_space<semaphore_mem>> -> memref<1x!tpu.dma_semaphore, #tpu.memory_space<semaphore_mem>>
    %dma_start3A_47 = tpu.memref_squeeze %dma_start3A_46 : memref<1x!tpu.dma_semaphore, #tpu.memory_space<semaphore_mem>> -> memref<!tpu.dma_semaphore, #tpu.memory_space<semaphore_mem>>
    tpu.enqueue_indirect_dma source(%dma_start3A_45 : memref<30522x1024xf32, #tpu.memory_space<hbm>>) target(%dma_start3A_39 : memref<32x1024xf32, #tpu.memory_space<vmem>>) offsets(%dma_start3A_42 : memref<32xi32, #tpu.memory_space<vmem>>) semaphore(%dma_start3A_47 : memref<!tpu.dma_semaphore, #tpu.memory_space<semaphore_mem>>)
    %scan3A = arith.constant 0 : i32
    %scan3A_48 = arith.constant 1 : i32
    %scan3A_49 = arith.constant 2 : i32
    %scan3A_50 = arith.constant 0 : i32
    %scan3A_51 = arith.constant 16 : i32
    %scan3A_52 = arith.addi %scan3A_50, %scan3A_51 : i32
    %scan3A_53 = arith.constant 1 : i32
    %scan3A_54:3 = scf.for %scan3A_56 = %scan3A_50 to %scan3A_52 step %scan3A_53 iter_args(%scan3A_57 = %scan3A, %scan3A_58 = %scan3A_48, %scan3A_59 = %scan3A_49) -> (i32, i32, i32)  : i32 {
      %add3A_60 = arith.constant 2 : i32
      %add3A_61 = arith.addi %scan3A_56, %add3A_60 : i32
      %lt3A = arith.constant 16 : i32
      %lt3A_62 = arith.cmpi slt, %add3A_61, %lt3A : i32
      %convert_element_type3A = arith.extui %lt3A_62 : i1 to i32
      %cond3A = arith.constant 0 : i32
      %cond3A_63 = arith.cmpi ne, %convert_element_type3A, %cond3A : i32
      scf.if %cond3A_63 {
        %add3A_78 = arith.constant 2 : i32
        %add3A_79 = arith.addi %scan3A_56, %add3A_78 : i32
        %mul3A_80 = arith.constant 32 : i32
        %mul3A_81 = arith.muli %add3A_79, %mul3A_80 : i32
        %get3A_82 = arith.index_cast %mul3A_81 : i32 to index
        %get3A_83 = tpu.vector_load %arg5[%get3A_82] {strides = array<i32>} : memref<512xi32, #tpu.memory_space<vmem>>, vector<32xi32>,
        %get3A_84 = vector.shape_cast %get3A_83 : vector<32xi32> to vector<32xi32>
        %swap3A_85 = arith.index_cast %scan3A_59 : i32 to index
        %swap3A_86 = arith.constant 0 : index
        %swap3A_87 = tpu.vector_load %arg6[%swap3A_85, %swap3A_86] {strides = array<i32>} : memref<3x32xi32, #tpu.memory_space<vmem>>, vector<1x32xi32>,
        %swap3A_88 = vector.shape_cast %swap3A_87 : vector<1x32xi32> to vector<32xi32>
        %swap3A_89 = vector.shape_cast %get3A_84 : vector<32xi32> to vector<1x32xi32>
        tpu.vector_store %arg6[%swap3A_85, %swap3A_86], %swap3A_89 {strides = array<i32>} : memref<3x32xi32, #tpu.memory_space<vmem>>, vector<1x32xi32>,
        %dma_start3A_90 = arith.constant 0 : i32
        %dma_start3A_91 = arith.constant 0 : i32
        %dma_start3A_92 = tpu.memref_slice %arg7[%scan3A_59, %dma_start3A_90, %dma_start3A_91] : memref<3x32x1024xf32, #tpu.memory_space<vmem>> -> memref<1x32x1024xf32, #tpu.memory_space<vmem>>
        %dma_start3A_93 = tpu.memref_squeeze %dma_start3A_92 : memref<1x32x1024xf32, #tpu.memory_space<vmem>> -> memref<32x1024xf32, #tpu.memory_space<vmem>>
        %dma_start3A_94 = arith.constant 0 : i32
        %dma_start3A_95 = tpu.memref_slice %arg6[%scan3A_59, %dma_start3A_94] : memref<3x32xi32, #tpu.memory_space<vmem>> -> memref<1x32xi32, #tpu.memory_space<vmem>>
        %dma_start3A_96 = tpu.memref_squeeze %dma_start3A_95 : memref<1x32xi32, #tpu.memory_space<vmem>> -> memref<32xi32, #tpu.memory_space<vmem>>
        %dma_start3A_97 = arith.constant 0 : i32
        %dma_start3A_98 = arith.constant 0 : i32
        %dma_start3A_99 = tpu.memref_slice %arg3[%dma_start3A_97, %dma_start3A_98] : memref<30522x1024xf32, #tpu.memory_space<hbm>> -> memref<30522x1024xf32, #tpu.memory_space<hbm>>
        %dma_start3A_100 = tpu.memref_slice %arg8[%scan3A_59] : memref<3x!tpu.dma_semaphore, #tpu.memory_space<semaphore_mem>> -> memref<1x!tpu.dma_semaphore, #tpu.memory_space<semaphore_mem>>
        %dma_start3A_101 = tpu.memref_squeeze %dma_start3A_100 : memref<1x!tpu.dma_semaphore, #tpu.memory_space<semaphore_mem>> -> memref<!tpu.dma_semaphore, #tpu.memory_space<semaphore_mem>>
        tpu.enqueue_indirect_dma source(%dma_start3A_99 : memref<30522x1024xf32, #tpu.memory_space<hbm>>) target(%dma_start3A_93 : memref<32x1024xf32, #tpu.memory_space<vmem>>) offsets(%dma_start3A_96 : memref<32xi32, #tpu.memory_space<vmem>>) semaphore(%dma_start3A_101 : memref<!tpu.dma_semaphore, #tpu.memory_space<semaphore_mem>>)
      } else {
      }
      %dma_wait3A = arith.constant 0 : i32
      %dma_wait3A_64 = arith.constant 0 : i32
      %dma_wait3A_65 = tpu.memref_slice %arg7[%scan3A_57, %dma_wait3A, %dma_wait3A_64] : memref<3x32x1024xf32, #tpu.memory_space<vmem>> -> memref<1x32x1024xf32, #tpu.memory_space<vmem>>
      %dma_wait3A_66 = tpu.memref_squeeze %dma_wait3A_65 : memref<1x32x1024xf32, #tpu.memory_space<vmem>> -> memref<32x1024xf32, #tpu.memory_space<vmem>>
      %dma_wait3A_67 = arith.constant 0 : i32
      %dma_wait3A_68 = tpu.memref_slice %arg6[%scan3A_57, %dma_wait3A_67] : memref<3x32xi32, #tpu.memory_space<vmem>> -> memref<1x32xi32, #tpu.memory_space<vmem>>
      %dma_wait3A_69 = tpu.memref_squeeze %dma_wait3A_68 : memref<1x32xi32, #tpu.memory_space<vmem>> -> memref<32xi32, #tpu.memory_space<vmem>>
      %dma_wait3A_70 = arith.constant 0 : i32
      %dma_wait3A_71 = arith.constant 0 : i32
      %dma_wait3A_72 = tpu.memref_slice %arg3[%dma_wait3A_70, %dma_wait3A_71] : memref<30522x1024xf32, #tpu.memory_space<hbm>> -> memref<30522x1024xf32, #tpu.memory_space<hbm>>
      %dma_wait3A_73 = tpu.memref_slice %arg8[%scan3A_57] : memref<3x!tpu.dma_semaphore, #tpu.memory_space<semaphore_mem>> -> memref<1x!tpu.dma_semaphore, #tpu.memory_space<semaphore_mem>>
      %dma_wait3A_74 = tpu.memref_squeeze %dma_wait3A_73 : memref<1x!tpu.dma_semaphore, #tpu.memory_space<semaphore_mem>> -> memref<!tpu.dma_semaphore, #tpu.memory_space<semaphore_mem>>
      tpu.wait_indirect_dma semaphore(%dma_wait3A_74 : memref<!tpu.dma_semaphore, #tpu.memory_space<semaphore_mem>>) src(%dma_wait3A_72 : memref<30522x1024xf32, #tpu.memory_space<hbm>>) dst(%dma_wait3A_66 : memref<32x1024xf32, #tpu.memory_space<vmem>>)
      %mul3A_75 = arith.constant 32 : i32
      %mul3A_76 = arith.muli %scan3A_56, %mul3A_75 : i32
      %add3A_77 = arith.addi %mul3A_2, %mul3A_76 : i32
      "tpu.region"() ({
        %run_scoped3A = tpu.sem_alloc : memref<!tpu.dma_semaphore, #tpu.memory_space<semaphore_mem>>
        %dma_start3A_78 = arith.constant 0 : i32
        %dma_start3A_79 = arith.constant 0 : i32
        %dma_start3A_80 = tpu.memref_slice %arg7[%scan3A_57, %dma_start3A_78, %dma_start3A_79] : memref<3x32x1024xf32, #tpu.memory_space<vmem>> -> memref<1x32x1024xf32, #tpu.memory_space<vmem>>
        %dma_start3A_81 = tpu.memref_squeeze %dma_start3A_80 : memref<1x32x1024xf32, #tpu.memory_space<vmem>> -> memref<32x1024xf32, #tpu.memory_space<vmem>>
        %dma_start3A_82 = arith.constant 0 : i32
        %dma_start3A_83 = tpu.memref_slice %arg4[%add3A_77, %dma_start3A_82] : memref<16384x1024xf32, #tpu.memory_space<hbm>> -> memref<32x1024xf32, #tpu.memory_space<hbm>>
        %dma_start3A_84 = arith.constant 0 : i32
        %dma_start3A_85 = tpu.memref_slice %arg4[%add3A_77, %dma_start3A_84] : memref<16384x1024xf32, #tpu.memory_space<hbm>> -> memref<32x1024xf32, #tpu.memory_space<hbm>>
        %dma_start3A_86 = arith.constant 0 : i32
        %dma_start3A_87 = arith.constant 0 : i32
        %dma_start3A_88 = tpu.memref_slice %arg7[%scan3A_57, %dma_start3A_86, %dma_start3A_87] : memref<3x32x1024xf32, #tpu.memory_space<vmem>> -> memref<1x32x1024xf32, #tpu.memory_space<vmem>>
        %dma_start3A_89 = tpu.memref_squeeze %dma_start3A_88 : memref<1x32x1024xf32, #tpu.memory_space<vmem>> -> memref<32x1024xf32, #tpu.memory_space<vmem>>
        tpu.enqueue_dma source(%dma_start3A_89 : memref<32x1024xf32, #tpu.memory_space<vmem>>) target(%dma_start3A_85 : memref<32x1024xf32, #tpu.memory_space<hbm>>) target_semaphore(%run_scoped3A : memref<!tpu.dma_semaphore, #tpu.memory_space<semaphore_mem>>)
        %dma_wait3A_90 = arith.constant 0 : i32
        %dma_wait3A_91 = arith.constant 0 : i32
        %dma_wait3A_92 = tpu.memref_slice %arg7[%scan3A_57, %dma_wait3A_90, %dma_wait3A_91] : memref<3x32x1024xf32, #tpu.memory_space<vmem>> -> memref<1x32x1024xf32, #tpu.memory_space<vmem>>
        %dma_wait3A_93 = tpu.memref_squeeze %dma_wait3A_92 : memref<1x32x1024xf32, #tpu.memory_space<vmem>> -> memref<32x1024xf32, #tpu.memory_space<vmem>>
        %dma_wait3A_94 = arith.constant 0 : i32
        %dma_wait3A_95 = tpu.memref_slice %arg4[%add3A_77, %dma_wait3A_94] : memref<16384x1024xf32, #tpu.memory_space<hbm>> -> memref<32x1024xf32, #tpu.memory_space<hbm>>
        %dma_wait3A_96 = arith.constant 0 : i32
        %dma_wait3A_97 = tpu.memref_slice %arg4[%add3A_77, %dma_wait3A_96] : memref<16384x1024xf32, #tpu.memory_space<hbm>> -> memref<32x1024xf32, #tpu.memory_space<hbm>>
        %dma_wait3A_98 = arith.constant 0 : i32
        %dma_wait3A_99 = arith.constant 0 : i32
        %dma_wait3A_100 = tpu.memref_slice %arg7[%scan3A_57, %dma_wait3A_98, %dma_wait3A_99] : memref<3x32x1024xf32, #tpu.memory_space<vmem>> -> memref<1x32x1024xf32, #tpu.memory_space<vmem>>
        %dma_wait3A_101 = tpu.memref_squeeze %dma_wait3A_100 : memref<1x32x1024xf32, #tpu.memory_space<vmem>> -> memref<32x1024xf32, #tpu.memory_space<vmem>>
        tpu.wait_dma2 semaphore(%run_scoped3A : memref<!tpu.dma_semaphore, #tpu.memory_space<semaphore_mem>>) src(%dma_wait3A_101 : memref<32x1024xf32, #tpu.memory_space<vmem>>) dst(%dma_wait3A_97 : memref<32x1024xf32, #tpu.memory_space<hbm>>)
        tpu.yield
      }) : () -> ()
      scf.yield %scan3A_58, %scan3A_59, %scan3A_57 : i32, i32, i32
    }
    %scan3A_55 = arith.constant 16 : i32
    return
  }
}

#map = affine_map<(d0, d1) -> (0)>
#map1 = affine_map<(d0, d1) -> (0, 0)>
module attributes {stable_mosaic.version = 14 : i64} {
  func.func @_sc_gather_body(%arg0: i32, %arg1: i32, %arg2: memref<16384xi32, #tpu.memory_space<hbm>>, %arg3: memref<30522x1024xf32, #tpu.memory_space<hbm>>, %arg4: memref<16384x1024xf32, #tpu.memory_space<hbm>>, %arg5: memref<512xi32, #tpu.memory_space<vmem>>, %arg6: memref<3x32xi32, #tpu.memory_space<vmem>>, %arg7: memref<3x32x1024xf32, #tpu.memory_space<vmem>>, %arg8: memref<3x!tpu.dma_semaphore, #tpu.memory_space<semaphore_mem>>, %arg9: memref<3x!tpu.dma_semaphore, #tpu.memory_space<semaphore_mem>>) attributes {dimension_semantics = [#tpu.dimension_semantics<core_parallel>, #tpu.dimension_semantics<subcore_parallel>], iteration_bounds = array<i64: 2, 16>, scalar_prefetch = 0 : i64, scratch_operands = 5 : i64, tpu.core_type = #tpu.core_type<sc_vector_subcore>, window_params = [{transform_indices = #map}, {transform_indices = #map1}, {transform_indices = #map1}]} {
    %mul3A = arith.constant 2 : i32
    %mul3A_0 = arith.muli %arg1, %mul3A : i32
    %add3A = arith.addi %mul3A_0, %arg0 : i32
    %mul3A_1 = arith.constant 512 : i32
    %mul3A_2 = arith.muli %add3A, %mul3A_1 : i32
    "tpu.region"() ({
      %run_scoped3A = tpu.sem_alloc : memref<!tpu.dma_semaphore, #tpu.memory_space<semaphore_mem>>
      %dma_start3A_56 = tpu.memref_slice %arg2[%mul3A_2] : memref<16384xi32, #tpu.memory_space<hbm>> -> memref<512xi32, #tpu.memory_space<hbm>>
      %dma_start3A_57 = tpu.memref_slice %arg2[%mul3A_2] : memref<16384xi32, #tpu.memory_space<hbm>> -> memref<512xi32, #tpu.memory_space<hbm>>
      tpu.enqueue_dma source(%dma_start3A_57 : memref<512xi32, #tpu.memory_space<hbm>>) target(%arg5 : memref<512xi32, #tpu.memory_space<vmem>>) target_semaphore(%run_scoped3A : memref<!tpu.dma_semaphore, #tpu.memory_space<semaphore_mem>>)
      %dma_wait3A = tpu.memref_slice %arg2[%mul3A_2] : memref<16384xi32, #tpu.memory_space<hbm>> -> memref<512xi32, #tpu.memory_space<hbm>>
      %dma_wait3A_58 = tpu.memref_slice %arg2[%mul3A_2] : memref<16384xi32, #tpu.memory_space<hbm>> -> memref<512xi32, #tpu.memory_space<hbm>>
      tpu.wait_dma2 semaphore(%run_scoped3A : memref<!tpu.dma_semaphore, #tpu.memory_space<semaphore_mem>>) src(%dma_wait3A_58 : memref<512xi32, #tpu.memory_space<hbm>>) dst(%arg5 : memref<512xi32, #tpu.memory_space<vmem>>)
      tpu.yield
    }) : () -> ()
    %get3A = arith.constant 0 : index
    %get3A_3 = tpu.vector_load %arg5[%get3A] {strides = array<i32>} : memref<512xi32, #tpu.memory_space<vmem>>, vector<32xi32>,
    %get3A_4 = vector.shape_cast %get3A_3 : vector<32xi32> to vector<32xi32>
    %swap3A = arith.constant 0 : i32
    %swap3A_5 = arith.index_cast %swap3A : i32 to index
    %swap3A_6 = arith.constant 0 : index
    %swap3A_7 = tpu.vector_load %arg6[%swap3A_5, %swap3A_6] {strides = array<i32>} : memref<3x32xi32, #tpu.memory_space<vmem>>, vector<1x32xi32>,
    %swap3A_8 = vector.shape_cast %swap3A_7 : vector<1x32xi32> to vector<32xi32>
    %swap3A_9 = vector.shape_cast %get3A_4 : vector<32xi32> to vector<1x32xi32>
    tpu.vector_store %arg6[%swap3A_5, %swap3A_6], %swap3A_9 {strides = array<i32>} : memref<3x32xi32, #tpu.memory_space<vmem>>, vector<1x32xi32>,
    %dma_start3A = arith.constant 0 : i32
    %dma_start3A_10 = arith.constant 0 : i32
    %dma_start3A_11 = arith.constant 0 : i32
    %dma_start3A_12 = arith.constant 0 : i32
    %dma_start3A_13 = arith.constant 0 : i32
    %dma_start3A_14 = tpu.memref_slice %arg7[%dma_start3A_10, %dma_start3A_12, %dma_start3A_13] : memref<3x32x1024xf32, #tpu.memory_space<vmem>> -> memref<1x32x1024xf32, #tpu.memory_space<vmem>>
    %dma_start3A_15 = tpu.memref_squeeze %dma_start3A_14 : memref<1x32x1024xf32, #tpu.memory_space<vmem>> -> memref<32x1024xf32, #tpu.memory_space<vmem>>
    %dma_start3A_16 = arith.constant 0 : i32
    %dma_start3A_17 = tpu.memref_slice %arg6[%dma_start3A, %dma_start3A_16] : memref<3x32xi32, #tpu.memory_space<vmem>> -> memref<1x32xi32, #tpu.memory_space<vmem>>
    %dma_start3A_18 = tpu.memref_squeeze %dma_start3A_17 : memref<1x32xi32, #tpu.memory_space<vmem>> -> memref<32xi32, #tpu.memory_space<vmem>>
    %dma_start3A_19 = arith.constant 0 : i32
    %dma_start3A_20 = arith.constant 0 : i32
    %dma_start3A_21 = tpu.memref_slice %arg3[%dma_start3A_19, %dma_start3A_20] : memref<30522x1024xf32, #tpu.memory_space<hbm>> -> memref<30522x1024xf32, #tpu.memory_space<hbm>>
    %dma_start3A_22 = tpu.memref_slice %arg8[%dma_start3A_11] : memref<3x!tpu.dma_semaphore, #tpu.memory_space<semaphore_mem>> -> memref<1x!tpu.dma_semaphore, #tpu.memory_space<semaphore_mem>>
    %dma_start3A_23 = tpu.memref_squeeze %dma_start3A_22 : memref<1x!tpu.dma_semaphore, #tpu.memory_space<semaphore_mem>> -> memref<!tpu.dma_semaphore, #tpu.memory_space<semaphore_mem>>
    tpu.enqueue_indirect_dma source(%dma_start3A_21 : memref<30522x1024xf32, #tpu.memory_space<hbm>>) target(%dma_start3A_15 : memref<32x1024xf32, #tpu.memory_space<vmem>>) offsets(%dma_start3A_18 : memref<32xi32, #tpu.memory_space<vmem>>) semaphore(%dma_start3A_23 : memref<!tpu.dma_semaphore, #tpu.memory_space<semaphore_mem>>)
    %get3A_24 = arith.constant 32 : index
    %get3A_25 = tpu.vector_load %arg5[%get3A_24] {strides = array<i32>} : memref<512xi32, #tpu.memory_space<vmem>>, vector<32xi32>,
    %get3A_26 = vector.shape_cast %get3A_25 : vector<32xi32> to vector<32xi32>
    %swap3A_27 = arith.constant 1 : i32
    %swap3A_28 = arith.index_cast %swap3A_27 : i32 to index
    %swap3A_29 = arith.constant 0 : index
    %swap3A_30 = tpu.vector_load %arg6[%swap3A_28, %swap3A_29] {strides = array<i32>} : memref<3x32xi32, #tpu.memory_space<vmem>>, vector<1x32xi32>,
    %swap3A_31 = vector.shape_cast %swap3A_30 : vector<1x32xi32> to vector<32xi32>
    %swap3A_32 = vector.shape_cast %get3A_26 : vector<32xi32> to vector<1x32xi32>
    tpu.vector_store %arg6[%swap3A_28, %swap3A_29], %swap3A_32 {strides = array<i32>} : memref<3x32xi32, #tpu.memory_space<vmem>>, vector<1x32xi32>,
    %dma_start3A_33 = arith.constant 1 : i32
    %dma_start3A_34 = arith.constant 1 : i32
    %dma_start3A_35 = arith.constant 1 : i32
    %dma_start3A_36 = arith.constant 0 : i32
    %dma_start3A_37 = arith.constant 0 : i32
    %dma_start3A_38 = tpu.memref_slice %arg7[%dma_start3A_34, %dma_start3A_36, %dma_start3A_37] : memref<3x32x1024xf32, #tpu.memory_space<vmem>> -> memref<1x32x1024xf32, #tpu.memory_space<vmem>>
    %dma_start3A_39 = tpu.memref_squeeze %dma_start3A_38 : memref<1x32x1024xf32, #tpu.memory_space<vmem>> -> memref<32x1024xf32, #tpu.memory_space<vmem>>
    %dma_start3A_40 = arith.constant 0 : i32
    %dma_start3A_41 = tpu.memref_slice %arg6[%dma_start3A_33, %dma_start3A_40] : memref<3x32xi32, #tpu.memory_space<vmem>> -> memref<1x32xi32, #tpu.memory_space<vmem>>
    %dma_start3A_42 = tpu.memref_squeeze %dma_start3A_41 : memref<1x32xi32, #tpu.memory_space<vmem>> -> memref<32xi32, #tpu.memory_space<vmem>>
    %dma_start3A_43 = arith.constant 0 : i32
    %dma_start3A_44 = arith.constant 0 : i32
    %dma_start3A_45 = tpu.memref_slice %arg3[%dma_start3A_43, %dma_start3A_44] : memref<30522x1024xf32, #tpu.memory_space<hbm>> -> memref<30522x1024xf32, #tpu.memory_space<hbm>>
    %dma_start3A_46 = tpu.memref_slice %arg8[%dma_start3A_35] : memref<3x!tpu.dma_semaphore, #tpu.memory_space<semaphore_mem>> -> memref<1x!tpu.dma_semaphore, #tpu.memory_space<semaphore_mem>>
    %dma_start3A_47 = tpu.memref_squeeze %dma_start3A_46 : memref<1x!tpu.dma_semaphore, #tpu.memory_space<semaphore_mem>> -> memref<!tpu.dma_semaphore, #tpu.memory_space<semaphore_mem>>
    tpu.enqueue_indirect_dma source(%dma_start3A_45 : memref<30522x1024xf32, #tpu.memory_space<hbm>>) target(%dma_start3A_39 : memref<32x1024xf32, #tpu.memory_space<vmem>>) offsets(%dma_start3A_42 : memref<32xi32, #tpu.memory_space<vmem>>) semaphore(%dma_start3A_47 : memref<!tpu.dma_semaphore, #tpu.memory_space<semaphore_mem>>)
    %scan3A = arith.constant 0 : i32
    %scan3A_48 = arith.constant 1 : i32
    %scan3A_49 = arith.constant 2 : i32
    %scan3A_50 = arith.constant 0 : i32
    %scan3A_51 = arith.constant 16 : i32
    %scan3A_52 = arith.addi %scan3A_50, %scan3A_51 : i32
    %scan3A_53 = arith.constant 1 : i32
    %scan3A_54:3 = scf.for %scan3A_56 = %scan3A_50 to %scan3A_52 step %scan3A_53 iter_args(%scan3A_57 = %scan3A, %scan3A_58 = %scan3A_48, %scan3A_59 = %scan3A_49) -> (i32, i32, i32)  : i32 {
      %add3A_60 = arith.constant 2 : i32
      %add3A_61 = arith.addi %scan3A_56, %add3A_60 : i32
      %lt3A = arith.constant 16 : i32
      %lt3A_62 = arith.cmpi slt, %add3A_61, %lt3A : i32
      %convert_element_type3A = arith.extui %lt3A_62 : i1 to i32
      %cond3A = arith.constant 0 : i32
      %cond3A_63 = arith.cmpi ne, %convert_element_type3A, %cond3A : i32
      scf.if %cond3A_63 {
        %add3A_78 = arith.constant 2 : i32
        %add3A_79 = arith.addi %scan3A_56, %add3A_78 : i32
        %mul3A_80 = arith.constant 32 : i32
        %mul3A_81 = arith.muli %add3A_79, %mul3A_80 : i32
        %get3A_82 = arith.index_cast %mul3A_81 : i32 to index
        %get3A_83 = tpu.vector_load %arg5[%get3A_82] {strides = array<i32>} : memref<512xi32, #tpu.memory_space<vmem>>, vector<32xi32>,
        %get3A_84 = vector.shape_cast %get3A_83 : vector<32xi32> to vector<32xi32>
        %swap3A_85 = arith.index_cast %scan3A_59 : i32 to index
        %swap3A_86 = arith.constant 0 : index
        %swap3A_87 = tpu.vector_load %arg6[%swap3A_85, %swap3A_86] {strides = array<i32>} : memref<3x32xi32, #tpu.memory_space<vmem>>, vector<1x32xi32>,
        %swap3A_88 = vector.shape_cast %swap3A_87 : vector<1x32xi32> to vector<32xi32>
        %swap3A_89 = vector.shape_cast %get3A_84 : vector<32xi32> to vector<1x32xi32>
        tpu.vector_store %arg6[%swap3A_85, %swap3A_86], %swap3A_89 {strides = array<i32>} : memref<3x32xi32, #tpu.memory_space<vmem>>, vector<1x32xi32>,
        %dma_start3A_90 = arith.constant 0 : i32
        %dma_start3A_91 = arith.constant 0 : i32
        %dma_start3A_92 = tpu.memref_slice %arg7[%scan3A_59, %dma_start3A_90, %dma_start3A_91] : memref<3x32x1024xf32, #tpu.memory_space<vmem>> -> memref<1x32x1024xf32, #tpu.memory_space<vmem>>
        %dma_start3A_93 = tpu.memref_squeeze %dma_start3A_92 : memref<1x32x1024xf32, #tpu.memory_space<vmem>> -> memref<32x1024xf32, #tpu.memory_space<vmem>>
        %dma_start3A_94 = arith.constant 0 : i32
        %dma_start3A_95 = tpu.memref_slice %arg6[%scan3A_59, %dma_start3A_94] : memref<3x32xi32, #tpu.memory_space<vmem>> -> memref<1x32xi32, #tpu.memory_space<vmem>>
        %dma_start3A_96 = tpu.memref_squeeze %dma_start3A_95 : memref<1x32xi32, #tpu.memory_space<vmem>> -> memref<32xi32, #tpu.memory_space<vmem>>
        %dma_start3A_97 = arith.constant 0 : i32
        %dma_start3A_98 = arith.constant 0 : i32
        %dma_start3A_99 = tpu.memref_slice %arg3[%dma_start3A_97, %dma_start3A_98] : memref<30522x1024xf32, #tpu.memory_space<hbm>> -> memref<30522x1024xf32, #tpu.memory_space<hbm>>
        %dma_start3A_100 = tpu.memref_slice %arg8[%scan3A_59] : memref<3x!tpu.dma_semaphore, #tpu.memory_space<semaphore_mem>> -> memref<1x!tpu.dma_semaphore, #tpu.memory_space<semaphore_mem>>
        %dma_start3A_101 = tpu.memref_squeeze %dma_start3A_100 : memref<1x!tpu.dma_semaphore, #tpu.memory_space<semaphore_mem>> -> memref<!tpu.dma_semaphore, #tpu.memory_space<semaphore_mem>>
        tpu.enqueue_indirect_dma source(%dma_start3A_99 : memref<30522x1024xf32, #tpu.memory_space<hbm>>) target(%dma_start3A_93 : memref<32x1024xf32, #tpu.memory_space<vmem>>) offsets(%dma_start3A_96 : memref<32xi32, #tpu.memory_space<vmem>>) semaphore(%dma_start3A_101 : memref<!tpu.dma_semaphore, #tpu.memory_space<semaphore_mem>>)
      } else {
      }
      %dma_wait3A = arith.constant 0 : i32
      %dma_wait3A_64 = arith.constant 0 : i32
      %dma_wait3A_65 = tpu.memref_slice %arg7[%scan3A_57, %dma_wait3A, %dma_wait3A_64] : memref<3x32x1024xf32, #tpu.memory_space<vmem>> -> memref<1x32x1024xf32, #tpu.memory_space<vmem>>
      %dma_wait3A_66 = tpu.memref_squeeze %dma_wait3A_65 : memref<1x32x1024xf32, #tpu.memory_space<vmem>> -> memref<32x1024xf32, #tpu.memory_space<vmem>>
      %dma_wait3A_67 = arith.constant 0 : i32
      %dma_wait3A_68 = tpu.memref_slice %arg6[%scan3A_57, %dma_wait3A_67] : memref<3x32xi32, #tpu.memory_space<vmem>> -> memref<1x32xi32, #tpu.memory_space<vmem>>
      %dma_wait3A_69 = tpu.memref_squeeze %dma_wait3A_68 : memref<1x32xi32, #tpu.memory_space<vmem>> -> memref<32xi32, #tpu.memory_space<vmem>>
      %dma_wait3A_70 = arith.constant 0 : i32
      %dma_wait3A_71 = arith.constant 0 : i32
      %dma_wait3A_72 = tpu.memref_slice %arg3[%dma_wait3A_70, %dma_wait3A_71] : memref<30522x1024xf32, #tpu.memory_space<hbm>> -> memref<30522x1024xf32, #tpu.memory_space<hbm>>
      %dma_wait3A_73 = tpu.memref_slice %arg8[%scan3A_57] : memref<3x!tpu.dma_semaphore, #tpu.memory_space<semaphore_mem>> -> memref<1x!tpu.dma_semaphore, #tpu.memory_space<semaphore_mem>>
      %dma_wait3A_74 = tpu.memref_squeeze %dma_wait3A_73 : memref<1x!tpu.dma_semaphore, #tpu.memory_space<semaphore_mem>> -> memref<!tpu.dma_semaphore, #tpu.memory_space<semaphore_mem>>
      tpu.wait_indirect_dma semaphore(%dma_wait3A_74 : memref<!tpu.dma_semaphore, #tpu.memory_space<semaphore_mem>>) src(%dma_wait3A_72 : memref<30522x1024xf32, #tpu.memory_space<hbm>>) dst(%dma_wait3A_66 : memref<32x1024xf32, #tpu.memory_space<vmem>>)
      %mul3A_75 = arith.constant 32 : i32
      %mul3A_76 = arith.muli %scan3A_56, %mul3A_75 : i32
      %add3A_77 = arith.addi %mul3A_2, %mul3A_76 : i32
      "tpu.region"() ({
        %run_scoped3A = tpu.sem_alloc : memref<!tpu.dma_semaphore, #tpu.memory_space<semaphore_mem>>
        %dma_start3A_78 = arith.constant 0 : i32
        %dma_start3A_79 = arith.constant 0 : i32
        %dma_start3A_80 = tpu.memref_slice %arg7[%scan3A_57, %dma_start3A_78, %dma_start3A_79] : memref<3x32x1024xf32, #tpu.memory_space<vmem>> -> memref<1x32x1024xf32, #tpu.memory_space<vmem>>
        %dma_start3A_81 = tpu.memref_squeeze %dma_start3A_80 : memref<1x32x1024xf32, #tpu.memory_space<vmem>> -> memref<32x1024xf32, #tpu.memory_space<vmem>>
        %dma_start3A_82 = arith.constant 0 : i32
        %dma_start3A_83 = tpu.memref_slice %arg4[%add3A_77, %dma_start3A_82] : memref<16384x1024xf32, #tpu.memory_space<hbm>> -> memref<32x1024xf32, #tpu.memory_space<hbm>>
        %dma_start3A_84 = arith.constant 0 : i32
        %dma_start3A_85 = tpu.memref_slice %arg4[%add3A_77, %dma_start3A_84] : memref<16384x1024xf32, #tpu.memory_space<hbm>> -> memref<32x1024xf32, #tpu.memory_space<hbm>>
        %dma_start3A_86 = arith.constant 0 : i32
        %dma_start3A_87 = arith.constant 0 : i32
        %dma_start3A_88 = tpu.memref_slice %arg7[%scan3A_57, %dma_start3A_86, %dma_start3A_87] : memref<3x32x1024xf32, #tpu.memory_space<vmem>> -> memref<1x32x1024xf32, #tpu.memory_space<vmem>>
        %dma_start3A_89 = tpu.memref_squeeze %dma_start3A_88 : memref<1x32x1024xf32, #tpu.memory_space<vmem>> -> memref<32x1024xf32, #tpu.memory_space<vmem>>
        tpu.enqueue_dma source(%dma_start3A_89 : memref<32x1024xf32, #tpu.memory_space<vmem>>) target(%dma_start3A_85 : memref<32x1024xf32, #tpu.memory_space<hbm>>) target_semaphore(%run_scoped3A : memref<!tpu.dma_semaphore, #tpu.memory_space<semaphore_mem>>)
        %dma_wait3A_90 = arith.constant 0 : i32
        %dma_wait3A_91 = arith.constant 0 : i32
        %dma_wait3A_92 = tpu.memref_slice %arg7[%scan3A_57, %dma_wait3A_90, %dma_wait3A_91] : memref<3x32x1024xf32, #tpu.memory_space<vmem>> -> memref<1x32x1024xf32, #tpu.memory_space<vmem>>
        %dma_wait3A_93 = tpu.memref_squeeze %dma_wait3A_92 : memref<1x32x1024xf32, #tpu.memory_space<vmem>> -> memref<32x1024xf32, #tpu.memory_space<vmem>>
        %dma_wait3A_94 = arith.constant 0 : i32
        %dma_wait3A_95 = tpu.memref_slice %arg4[%add3A_77, %dma_wait3A_94] : memref<16384x1024xf32, #tpu.memory_space<hbm>> -> memref<32x1024xf32, #tpu.memory_space<hbm>>
        %dma_wait3A_96 = arith.constant 0 : i32
        %dma_wait3A_97 = tpu.memref_slice %arg4[%add3A_77, %dma_wait3A_96] : memref<16384x1024xf32, #tpu.memory_space<hbm>> -> memref<32x1024xf32, #tpu.memory_space<hbm>>
        %dma_wait3A_98 = arith.constant 0 : i32
        %dma_wait3A_99 = arith.constant 0 : i32
        %dma_wait3A_100 = tpu.memref_slice %arg7[%scan3A_57, %dma_wait3A_98, %dma_wait3A_99] : memref<3x32x1024xf32, #tpu.memory_space<vmem>> -> memref<1x32x1024xf32, #tpu.memory_space<vmem>>
        %dma_wait3A_101 = tpu.memref_squeeze %dma_wait3A_100 : memref<1x32x1024xf32, #tpu.memory_space<vmem>> -> memref<32x1024xf32, #tpu.memory_space<vmem>>
        tpu.wait_dma2 semaphore(%run_scoped3A : memref<!tpu.dma_semaphore, #tpu.memory_space<semaphore_mem>>) src(%dma_wait3A_101 : memref<32x1024xf32, #tpu.memory_space<vmem>>) dst(%dma_wait3A_97 : memref<32x1024xf32, #tpu.memory_space<hbm>>)
        tpu.yield
      }) : () -> ()
      scf.yield %scan3A_58, %scan3A_59, %scan3A_57 : i32, i32, i32
    }
    %scan3A_55 = arith.constant 16 : i32
    return
  }
}

module attributes {stable_mosaic.version = 14 : i64} {
  func.func @_ln_body(%arg0: i32, %arg1: memref<1024x1024xf32, #tpu.memory_space<vmem>>, %arg2: memref<1024x1024xf32, #tpu.memory_space<vmem>>, %arg3: memref<2x1x1024xf32, #tpu.memory_space<vmem>>, %arg4: memref<1024x1xf32, #tpu.memory_space<vmem>>, %arg5: memref<1x1024xf32, #tpu.memory_space<vmem>>, %arg6: memref<1x1024xf32, #tpu.memory_space<vmem>>, %arg7: memref<1024x1024xf32, #tpu.memory_space<vmem>>) attributes {dimension_semantics = [#tpu.dimension_semantics<arbitrary>], iteration_bounds = array<i64: 16>, scalar_prefetch = 0 : i64, scratch_operands = 0 : i64, tpu.core_type = #tpu.core_type<tc>, window_params = [{transform_indices = @transform_0, window_bounds = array<i64: 1024, 1024>}, {transform_indices = @transform_1, window_bounds = array<i64: 1024, 1024>}, {pipeline_mode = #tpu.pipeline_mode<synchronous>, transform_indices = @transform_2, window_bounds = array<i64: 2, 1, 1024>}, {transform_indices = @transform_3, window_bounds = array<i64: 1024, 1>}, {pipeline_mode = #tpu.pipeline_mode<synchronous>, transform_indices = @transform_4, window_bounds = array<i64: 1, 1024>}, {pipeline_mode = #tpu.pipeline_mode<synchronous>, transform_indices = @transform_5, window_bounds = array<i64: 1, 1024>}, {transform_indices = @transform_6, window_bounds = array<i64: 1024, 1024>}]} {
    %get3A = arith.constant 0 : index
    %get3A_0 = arith.constant 0 : index
    %get3A_1 = arith.constant 0 : index
    %get3A_2 = vector.load %arg3[%get3A, %get3A_0, %get3A_1] : memref<2x1x1024xf32, #tpu.memory_space<vmem>>, vector<1x1x1024xf32>
    %get3A_3 = vector.shape_cast %get3A_2 : vector<1x1x1024xf32> to vector<1x1024xf32>
    %get3A_4 = arith.constant 1 : index
    %get3A_5 = arith.constant 0 : index
    %get3A_6 = arith.constant 0 : index
    %get3A_7 = vector.load %arg3[%get3A_4, %get3A_5, %get3A_6] : memref<2x1x1024xf32, #tpu.memory_space<vmem>>, vector<1x1x1024xf32>
    %get3A_8 = vector.shape_cast %get3A_7 : vector<1x1x1024xf32> to vector<1x1024xf32>
    %get3A_9 = arith.constant 0 : index
    %get3A_10 = arith.constant 0 : index
    %get3A_11 = arith.constant 0 : index
    %get3A_12 = vector.load %arg3[%get3A_9, %get3A_10, %get3A_11] : memref<2x1x1024xf32, #tpu.memory_space<vmem>>, vector<1x1x1024xf32>
    %get3A_13 = vector.shape_cast %get3A_12 : vector<1x1x1024xf32> to vector<1x1024xf32>
    %sub3A = arith.subf %get3A_8, %get3A_13 : vector<1x1024xf32>
    %get3A_14 = arith.constant 0 : index
    %get3A_15 = arith.constant 0 : index
    %get3A_16 = vector.load %arg1[%get3A_14, %get3A_15] : memref<1024x1024xf32, #tpu.memory_space<vmem>>, vector<1024x1024xf32>
    %get3A_17 = arith.constant 0 : index
    %get3A_18 = arith.constant 0 : index
    %get3A_19 = vector.load %arg2[%get3A_17, %get3A_18] : memref<1024x1024xf32, #tpu.memory_space<vmem>>, vector<1024x1024xf32>
    %add3A = arith.addf %get3A_16, %get3A_19 : vector<1024x1024xf32>
    %add3A_20 = vector.broadcast %get3A_3 : vector<1x1024xf32> to vector<1024x1024xf32>
    %add3A_21 = arith.addf %add3A, %add3A_20 : vector<1024x1024xf32>
    %get3A_22 = arith.constant 0 : index
    %get3A_23 = arith.constant 0 : index
    %get3A_24 = vector.load %arg4[%get3A_22, %get3A_23] : memref<1024x1xf32, #tpu.memory_space<vmem>>, vector<1024x1xf32>
    %mul3A = vector.broadcast %get3A_24 : vector<1024x1xf32> to vector<1024x1024xf32>
    %mul3A_25 = vector.broadcast %sub3A : vector<1x1024xf32> to vector<1024x1024xf32>
    %mul3A_26 = arith.mulf %mul3A, %mul3A_25 : vector<1024x1024xf32>
    %add3A_27 = arith.addf %add3A_21, %mul3A_26 : vector<1024x1024xf32>
    %reduce_sum3A = arith.constant dense<0.000000e+00> : vector<1024xf32>
    %reduce_sum3A_28 = vector.multi_reduction <add>, %add3A_27, %reduce_sum3A [1] : vector<1024x1024xf32> to vector<1024xf32>
    %broadcast_in_dim3A = vector.shape_cast %reduce_sum3A_28 : vector<1024xf32> to vector<1024x1xf32>
    %div3A = arith.constant 1.024000e+03 : f32
    %div3A_29 = vector.broadcast %div3A : f32 to vector<1024x1xf32>
    %div3A_30 = arith.divf %broadcast_in_dim3A, %div3A_29 : vector<1024x1xf32>
    %mul3A_31 = arith.mulf %add3A_27, %add3A_27 : vector<1024x1024xf32>
    %reduce_sum3A_32 = arith.constant dense<0.000000e+00> : vector<1024xf32>
    %reduce_sum3A_33 = vector.multi_reduction <add>, %mul3A_31, %reduce_sum3A_32 [1] : vector<1024x1024xf32> to vector<1024xf32>
    %broadcast_in_dim3A_34 = vector.shape_cast %reduce_sum3A_33 : vector<1024xf32> to vector<1024x1xf32>
    %div3A_35 = arith.constant 1.024000e+03 : f32
    %div3A_36 = vector.broadcast %div3A_35 : f32 to vector<1024x1xf32>
    %div3A_37 = arith.divf %broadcast_in_dim3A_34, %div3A_36 : vector<1024x1xf32>
    %mul3A_38 = arith.mulf %div3A_30, %div3A_30 : vector<1024x1xf32>
    %sub3A_39 = arith.subf %div3A_37, %mul3A_38 : vector<1024x1xf32>
    %add3A_40 = arith.constant 9.99999996E-13 : f32
    %add3A_41 = vector.broadcast %add3A_40 : f32 to vector<1024x1xf32>
    %add3A_42 = arith.addf %sub3A_39, %add3A_41 : vector<1024x1xf32>
    %rsqrt3A = math.rsqrt %add3A_42 : vector<1024x1xf32>
    %sub3A_43 = vector.broadcast %div3A_30 : vector<1024x1xf32> to vector<1024x1024xf32>
    %sub3A_44 = arith.subf %add3A_27, %sub3A_43 : vector<1024x1024xf32>
    %mul3A_45 = vector.broadcast %rsqrt3A : vector<1024x1xf32> to vector<1024x1024xf32>
    %mul3A_46 = arith.mulf %sub3A_44, %mul3A_45 : vector<1024x1024xf32>
    %get3A_47 = arith.constant 0 : index
    %get3A_48 = arith.constant 0 : index
    %get3A_49 = vector.load %arg5[%get3A_47, %get3A_48] : memref<1x1024xf32, #tpu.memory_space<vmem>>, vector<1x1024xf32>
    %mul3A_50 = vector.broadcast %get3A_49 : vector<1x1024xf32> to vector<1024x1024xf32>
    %mul3A_51 = arith.mulf %mul3A_46, %mul3A_50 : vector<1024x1024xf32>
    %get3A_52 = arith.constant 0 : index
    %get3A_53 = arith.constant 0 : index
    %get3A_54 = vector.load %arg6[%get3A_52, %get3A_53] : memref<1x1024xf32, #tpu.memory_space<vmem>>, vector<1x1024xf32>
    %add3A_55 = vector.broadcast %get3A_54 : vector<1x1024xf32> to vector<1024x1024xf32>
    %add3A_56 = arith.addf %mul3A_51, %add3A_55 : vector<1024x1024xf32>
    %swap3A = arith.constant 0 : index
    %swap3A_57 = arith.constant 0 : index
    %swap3A_58 = vector.load %arg7[%swap3A, %swap3A_57] : memref<1024x1024xf32, #tpu.memory_space<vmem>>, vector<1024x1024xf32>
    tpu.vector_store %arg7[%swap3A, %swap3A_57], %add3A_56 {strides = array<i32>} : memref<1024x1024xf32, #tpu.memory_space<vmem>>, vector<1024x1024xf32>,
    return
  }
  func.func @transform_0(%arg0: i32) -> (i32, i32) {
    %c0_i32 = arith.constant 0 : i32
    %c0_i32_0 = arith.constant 0 : i32
    return %arg0, %c0_i32 : i32, i32
  }
  func.func @transform_1(%arg0: i32) -> (i32, i32) {
    %jit3A = arith.constant 1 : i32
    %eq3A = arith.constant 0 : i32
    %eq3A_0 = arith.cmpi eq, %jit3A, %eq3A : i32
    %jit3A_1 = arith.constant 1 : i32
    %select_n3A = arith.select %eq3A_0, %jit3A_1, %jit3A : i32
    %rem3A = arith.remsi %arg0, %select_n3A : i32
    %ne3A = arith.constant 0 : i32
    %ne3A_2 = arith.cmpi ne, %rem3A, %ne3A : i32
    %lt3A = arith.constant 0 : i32
    %lt3A_3 = arith.cmpi slt, %rem3A, %lt3A : i32
    %lt3A_4 = arith.constant 0 : i32
    %lt3A_5 = arith.cmpi slt, %select_n3A, %lt3A_4 : i32
    %ne3A_6 = arith.xori %lt3A_3, %lt3A_5 : i1
    %and3A = arith.andi %ne3A_6, %ne3A_2 : i1
    %add3A = arith.addi %rem3A, %select_n3A : i32
    %select_n3A_7 = arith.select %and3A, %add3A, %rem3A : i32
    %c0_i32 = arith.constant 0 : i32
    %c0_i32_8 = arith.constant 0 : i32
    return %select_n3A_7, %c0_i32 : i32, i32
  }
  func.func @transform_2(%arg0: i32) -> (i32, i32, i32) {
    %c0_i32 = arith.constant 0 : i32
    %c0_i32_0 = arith.constant 0 : i32
    %c0_i32_1 = arith.constant 0 : i32
    %c0_i32_2 = arith.constant 0 : i32
    return %c0_i32, %c0_i32_0, %c0_i32_1 : i32, i32, i32
  }
  func.func @transform_3(%arg0: i32) -> (i32, i32) {
    %c0_i32 = arith.constant 0 : i32
    %c0_i32_0 = arith.constant 0 : i32
    return %arg0, %c0_i32 : i32, i32
  }
  func.func @transform_4(%arg0: i32) -> (i32, i32) {
    %c0_i32 = arith.constant 0 : i32
    %c0_i32_0 = arith.constant 0 : i32
    %c0_i32_1 = arith.constant 0 : i32
    return %c0_i32, %c0_i32_0 : i32, i32
  }
  func.func @transform_5(%arg0: i32) -> (i32, i32) {
    %c0_i32 = arith.constant 0 : i32
    %c0_i32_0 = arith.constant 0 : i32
    %c0_i32_1 = arith.constant 0 : i32
    return %c0_i32, %c0_i32_0 : i32, i32
  }
  func.func @transform_6(%arg0: i32) -> (i32, i32) {
    %c0_i32 = arith.constant 0 : i32
    %c0_i32_0 = arith.constant 0 : i32
    return %arg0, %c0_i32 : i32, i32
  }
}

</mosaic_0001>

<sc_bundles>
// kernel: kernel.6.cloned.1.call-start
scs
__scs_entry_jumppad:
0x0: {  	(pc) =	sbr.rel $0x88, $3  }
0x1: {  	(tag) =	ssettag $0x0;
	lr =	simm.s32 $0x1  }
0x2: {  	[smem:$0x3F9A] =	sst lr;
	_ =	strace $0xD0000000  }
0x3: {  	_ = 	snop  }
0x4: {  	_ = 	snop  }
0x5: {  	_ = 	snop  }
0x6: {  	_ = 	snop  }
0x7: {  	_ = 	snop  }
__scs_overlays_trampoline_lowered:
0x8: {  	[smem:$0x3FA9] =	sst s0  }
0x9: {  	[smem:$0x3FAA] =	sst s1  }
0xa: {  	[smem:$0x3FAB] =	sst s2  }
0xb: {  	[smem:$0x3FAC] =	sst s3  }
0xc: {  	[smem:$0x3FAD] =	sst s4  }
0xd: {  	[smem:$0x3FAE] =	sst s5  }
0xe: {  	[smem:$0x3FAF] =	sst s6  }
0xf: {  	[smem:$0x3FB0] =	sst s7  }
0x10: {  	[smem:$0x3FB1] =	sst s8  }
0x11: {  	[smem:$0x3FB2] =	sst s9;
	s0 =	simm.s32 @!p0 $0x0  }
0x12: {  	s1 =	sld [smem:$0x3F98];
	s0 =	simm.s32 @p0 $0x1  }
0x13: {  	[smem:$0x3FB3] =	sst s0;
	s0 =	simm.s32 @!p1 $0x0  }
0x14: {  	s2 =	sld [smem:$0x3F97];
	s0 =	simm.s32 @p1 $0x1  }
0x15: {  	[smem:$0x3FB4] =	sst s0;
	s0 =	simm.s32 @!p2 $0x0  }
0x16: {  	s3 =	sld [smem:$0x3FDB];
	s0 =	simm.s32 @p2 $0x1  }
0x17: {  	s4 =	simm.s32 $0x1BF5;
	[smem:$0x3FB6] =	sst s0  }
0x18: {  	s0 =	sld [smem:$0x3F99];
	_ =	swait.ge [sflag:s4], $0x0  }
0x19: {  	s7 =	sld [smem:$0x3F9A]  }
0x1a: {  	s8 =	sadd.s32 $0xFFFFE003, lr  }
0x1b: {  	s9 =	sadd.s32 $0xFFFFFEF7, lr;
	s5 =	simm.s32 $0xFFFFFFFF;
	p2 =	slt.u32 s8, $0xFFFFF086  }
0x1c: {  	p1 =	slt.u32 s9, $0xF7A;
	s5 =	simm.s32 @!p2 $0x0  }
0x1d: {  	s5 =	simm.s32 @p1 $0x1;
	p0 =	seq.s32 s7, s2  }
0x1e: {  	s7 =	smul.u32 @!p0 $0xF7A, s2;
	p2 =	seq.s32 @!p0 s5, $0x0  }
0x1f: {  	s9 =	smul.u32 $0xF7A, s1;
	s8 =	simm.s32 @!p0 $0x1BF5;
	p2 =	por !p2, p0  }
0x20: {  	[sflag:s8] =	ssyncset.s32 @!p0 $0xFFFFF086;
	s6 =	sadd.s32 @!p0 s3, s7;
	s7 =	simm.s32 @!p0 $0x108  }
0x21: {  	s3 =	sadd.s32 s3, s9;
	s6 =	sadd.s32 @!p0 $0x88, s6;
	s7 =	simm.s32 @p2 $0x1082  }
0x22: {  	[simem:s7], [sflag:s8] =	dma.local @!p0 [hbm:s6], $0xF7A  }
0x23: {  	s9 =	sor.u32 $0xD0000000, s2;
	s6 =	simm.s32 $0x108;
	_ =	swait.ge @!p0 [sflag:s8], $0x0  }
0x24: {  	s3 =	sadd.s32 $0x88, s3;
	s6 =	simm.s32 @!p1 $0x1082;
	[sflag:s4] =	ssyncset.s32 $0xFFFFF086  }
0x25: {  	[simem:s6], [sflag:s4] =	dma.local [hbm:s3], $0xF7A  }
0x26: {  	[smem:$0x3F9A] =	sst s1;
	(tag) =	ssettag s2;
	_ =	strace s9  }
0x27: {  	s1 =	sld [smem:$0x3FAA]  }
0x28: {  	s2 =	sld [smem:$0x3FAB]  }
0x29: {  	s4 =	sld [smem:$0x3FAD]  }
0x2a: {  	p0 =	seq.s32 s5, $0x0;
	s5 =	sld [smem:$0x3FAE]  }
0x2b: {  	s6 =	sld [smem:$0x3FAF]  }
0x2c: {  	s7 =	sld [smem:$0x3FB0]  }
0x2d: {  	s3 =	simm.s32 $0x108;
	s8 =	sld [smem:$0x3FB1]  }
0x2e: {  	s3 =	simm.s32 @!p0 $0x1082;
	s9 =	sld [smem:$0x3FB2]  }
0x2f: {  	lr =	sadd.s32 s0, s3;
	s0 =	sld [smem:$0x3FA9]  }
0x30: {  	s3 =	sld [smem:$0x3FAC]  }
0x31: {  	[smem:$0x3FB5] =	sst s10  }
0x32: {  	s10 =	sld [smem:$0x3FB3];
	_ =	sdelay $0x3  }
0x33: {  	p0 =	seq.s32 s10, $0x1;
	s10 =	sld [smem:$0x3FB5];
	_ =	sdelay $0x3  }
0x34: {  	[smem:$0x3FB5] =	sst s10  }
0x35: {  	s10 =	sld [smem:$0x3FB4];
	_ =	sdelay $0x3  }
0x36: {  	p1 =	seq.s32 s10, $0x1;
	s10 =	sld [smem:$0x3FB5];
	_ =	sdelay $0x3  }
0x37: {  	[smem:$0x3FB5] =	sst s10  }
0x38: {  	s10 =	sld [smem:$0x3FB6]  }
0x39: {  	_ = 	snop;
	(pc) =	sbr.ind lr, $3  }
0x3a: {  	_ = 	snop  }
0x3b: {  	_ = 	snop  }
0x3c: {  	p2 =	seq.s32 s10, $0x1;
	s10 =	sld [smem:$0x3FB5]  }
0x3d: {  	_ =	shalt  }
0x3e: {  	_ =	shalt  }
0x3f: {  	_ =	shalt  }
0x40: {  	_ =	shalt  }
0x41: {  	_ =	shalt  }
0x42: {  	_ =	shalt  }
0x43: {  	_ =	shalt  }
0x44: {  	_ =	shalt  }
0x45: {  	_ =	shalt  }
0x46: {  	_ =	shalt  }
0x47: {  	_ =	shalt  }
0x48: {  	_ =	shalt  }
0x49: {  	_ =	shalt  }
0x4a: {  	_ =	shalt  }
0x4b: {  	_ =	shalt  }
0x4c: {  	_ =	shalt  }
0x4d: {  	_ =	shalt  }
0x4e: {  	_ =	shalt  }
0x4f: {  	_ =	shalt  }
0x50: {  	_ =	shalt  }
0x51: {  	_ =	shalt  }
0x52: {  	_ =	shalt  }
0x53: {  	_ =	shalt  }
0x54: {  	_ =	shalt  }
0x55: {  	_ =	shalt  }
0x56: {  	_ =	shalt  }
0x57: {  	_ =	shalt  }
0x58: {  	_ =	shalt  }
0x59: {  	_ =	shalt  }
0x5a: {  	_ =	shalt  }
0x5b: {  	_ =	shalt  }
0x5c: {  	_ =	shalt  }
0x5d: {  	_ =	shalt  }
0x5e: {  	_ =	shalt  }
0x5f: {  	_ =	shalt  }
0x60: {  	_ =	shalt  }
0x61: {  	_ =	shalt  }
0x62: {  	_ =	shalt  }
0x63: {  	_ =	shalt  }
0x64: {  	_ =	shalt  }
0x65: {  	_ =	shalt  }
0x66: {  	_ =	shalt  }
0x67: {  	_ =	shalt  }
0x68: {  	_ =	shalt  }
0x69: {  	_ =	shalt  }
0x6a: {  	_ =	shalt  }
0x6b: {  	_ =	shalt  }
0x6c: {  	_ =	shalt  }
0x6d: {  	_ =	shalt  }
0x6e: {  	_ =	shalt  }
0x6f: {  	_ =	shalt  }
0x70: {  	_ =	shalt  }
0x71: {  	_ =	shalt  }
0x72: {  	_ =	shalt  }
0x73: {  	_ =	shalt  }
0x74: {  	_ =	shalt  }
0x75: {  	_ =	shalt  }
0x76: {  	_ =	shalt  }
0x77: {  	_ =	shalt  }
0x78: {  	_ =	shalt  }
0x79: {  	_ =	shalt  }
0x7a: {  	_ =	shalt  }
0x7b: {  	_ =	shalt  }
0x7c: {  	_ =	shalt  }
0x7d: {  	_ =	shalt  }
0x7e: {  	_ =	shalt  }
0x7f: {  	_ =	shalt  }
0x80: {  	_ =	shalt  }
0x81: {  	_ =	shalt  }
0x82: {  	_ =	shalt  }
0x83: {  	_ =	shalt  }
0x84: {  	_ =	shalt  }
0x85: {  	_ =	shalt  }
0x86: {  	_ =	shalt  }
0x87: {  	_ =	shalt  }
.Lfunc_end0:
.L_simem_size_0:
called_computation_lowered:
.L_overlay_start_0:
0x88: {  	s2 =	sld [smem:$0x3FD9]  }
0x89: {  	s3 =	sld [smem:$0x3FFE];
	_ =	sdelay $0x1  }
0x8a: {  	s1 =	srdreg.scid  }
0x8b: {  	s0 =	sand.u32 $0x1, s1  }
0x8c: {  	s17 =	sshll.u32 s0, $0xA;
	s2 =	sadd.s32 s3, s2  }
0x8d: {  	s2 =	sadd.s32 s2, s17  }
0x8e: {  	[smem:$0x3FC1] =	sst s2  }
0x8f: {  	_ = 	snop  }
0x90: {  	s18 =	sld [smem:$0x3FC7]  }
0x91: {  	s4 =	sld [smem:$0x3FD0];
	(tm) =	ssettm $0x1  }
0x92: {  	s19 =	sld [smem:$0x3FFB];
	_ =	sdelay $0x3  }
0x93: {  	_ =	strace s19  }
0x94: {  	s2 =	sld [smem:$0x3FFC];
	_ =	sdelay $0x3  }
0x95: {  	_ =	strace s2  }
0x96: {  	s2 =	sld [smem:$0x3FFD];
	_ =	sdelay $0x3  }
0x97: {  	_ =	strace s2  }
0x98: {  	_ =	strace $0x8FFFFFFF  }
0x99: {  	s20 =	sld [smem:$0x3FDB];
	_ =	sdelay $0x1  }
0x9a: {  	s5 =	simm.s32 $_scs_section_size  }
0x9b: {  	s6 =	simm.s32 $_size__tile_overlayer_lowered;
	s7 =	simm.s32 $_tile_overlayer_lowered  }
0x9c: {  	s8 =	simm.s32 $0x1BFF;
	s21 =	sshll.u32 s7, $0x1;
	s5 =	sadd.s32 s5, s20  }
0x9d: {  	s22 =	simm.s32 $0x0;
	s6 =	sshll.u32 s6, $0x1;
	s7 =	sadd.s32 s21, s5  }
0x9e: {  	[timem:s22], [sflag:s8] =	dma.local [hbm:s7], s6  }
0x9f: {  	_ =	swait.ge [sflag:s8], s6  }
0xa0: {  	s6 =	ssub.s32 $0x0, s6;
	[sflag:s8] =	ssyncset.done $0x0  }
0xa1: {  	[sflag:s8] =	ssyncadd.s32 s6;
	_ =	sdelay $0x1  }
0xa2: {  	s23 =	simm.s32 $0x1B8B  }
0xa3: {  	_ =	swait.ge [sflag:s23], $0x1  }
0xa4: {  	[sflag:s23] =	ssyncset.done $0x0  }
0xa5: {  	[sflag:s23] =	ssyncadd.s32 $0xFFFFFFFF  }
0xa6: {  	s6 =	sld [smem:$0x0]  }
0xa7: {  	s7 =	sand.u32 $0xFFFFFFFE, s1  }
0xa8: {  	p0 =	sne.s32 s1, s7  }
0xa9: {  	s7 =	sshll.u32 @p0 s7, $0xE  }
0xaa: {  	s7 =	sadd.s32 @p0 $0x11B8D, s7;
	s8 =	sshll.u32 @p0 s6, $0x11  }
0xab: {  	s7 =	sor.u32 @p0 s8, s7  }
0xac: {  	[sflag:s7] =	ssyncadd.remote.s32 @p0 $0x1;
	_ =	sdelay $0x1  }
0xad: {  	s7 =	simm.s32 @p0 $0x1B8D  }
0xae: {  	_ =	swait.eq @p0 [sflag:s7], $0x1  }
0xaf: {  	[sflag:s7] =	ssyncadd.s32 @p0 $0xFFFFFFFF  }
0xb0: {  	s8 =	sshll.u32 @!p0 s1, $0xE  }
0xb1: {  	s8 =	sor.u32 @!p0 $0x4000, s8;
	s7 =	simm.s32 @!p0 $0x1B8D  }
0xb2: {  	s6 =	sshll.u32 @!p0 s6, $0x11;
	s8 =	sadd.s32 @!p0 $0x11B8D, s8;
	_ =	swait.eq @!p0 [sflag:s7], $0x1  }
0xb3: {  	s6 =	sor.u32 @!p0 s6, s8;
	[sflag:s7] =	ssyncadd.s32 @!p0 $0xFFFFFFFF  }
0xb4: {  	s25 =	simm.s32 $0x1B8E;
	s24 =	sld [smem:$0x3FFE];
	[sflag:s6] =	ssyncadd.remote.s32 @!p0 $0x1  }
0xb5: {  	s26 =	simm.s32 $execute0_lowered;
	[smem:$0x3FD2] =	sst s25  }
0xb6: {  	s7 =	sshll.u32 s26, $0x1;
	_ =	strace $0x80000049;
	[dreg:$0x1] =	wrdreg $0xFFFFFFFF  }
0xb7: {  	s28 =	simm.s32 $_size_execute0_lowered;
	s5 =	sadd.s32 s5, s7;
	[dreg:$0x0] =	wrdreg $0x0  }
0xb8: {  	s7 =	sshll.u32 s28, $0x1;
	[dreg:$0x2] =	wrdreg s5  }
0xb9: {  	[dreg:$0x3] =	wrdreg s7  }
0xba: {  	[dreg:$0x4] =	wrdreg $0xC0  }
0xbb: {  	_ =	task [dreg:s22], $0x5FFFF  }
0xbc: {  	[dreg:$0x1] =	wrdreg $0xFFFFFFFF  }
0xbd: {  	[dreg:$0x0] =	wrdreg $0x60  }
0xbe: {  	[dreg:$0x2] =	wrdreg s24  }
0xbf: {  	[dreg:$0x3] =	wrdreg s18  }
0xc0: {  	[dreg:$0x4] =	wrdreg s4  }
0xc1: {  	[dreg:$0x5] =	wrdreg $0x9  }
0xc2: {  	_ =	task.clear_ibuf [dreg:s22], $0x6FFFF;
	_ =	strace $0x90000049  }
0xc3: {  	s29 =	simm.s32 $0x9;
	_ =	strace $0x8000004B  }
0xc4: {  	_ =	swait.ge [sflag:s29], $0x1  }
0xc5: {  	[sflag:s29] =	ssyncadd.s32 $0xFFFFFFFF  }
0xc6: {  	_ =	strace $0x9000004B  }
0xc7: {  	_ =	sfence  }
0xc8: {  	s30 =	sld [smem:$0x0];
	_ =	sdelay $0x2  }
0xc9: {  	s31 =	sshll.u32 s1, $0xD;
	s1 =	sshrl.u32 s1, $0x2  }
0xca: {  	s4 =	sand.u32 $0x4000, s31;
	s1 =	sadd.s32 s1, s30  }
0xcb: {  	s0 =	sor.u32 s4, s0;
	s1 =	sshll.u32 s1, $0x11  }
0xcc: {  	s0 =	sor.u32 s1, s0  }
0xcd: {  	s0 =	sadd.s32 $0x8F2B, s0  }
0xce: {  	[sflag:s0] =	ssyncadd.remote.s32 $0x1  }
0xcf: {  	_ =	sfence.sel $0xFFFF  }
0xd0: {  	[dreg:$0x0] =	wrdreg $0xFFFFFFFF;
	(pc) =	sbr.abs _section_cstart, $3  }
0xd1: {  	[dreg:$0x1] =	wrdreg $0xFFFFFFFF  }
0xd2: {  	_ =	task.clear_ibuf [dreg:s22], $0x2FFFF;
	_ =	strace $0x9FFFFFFF  }
0xd3: {  	(tm) =	ssettm $0x7FFFFFFF  }
tec
execute0_lowered:
.L_overlay_start_1:
0x0: {  	(tag) =	ssettag $0x1  }
0x1: {  	s0 =	rddreg [dreg:$0x0];
	s1 =	srdreg.scid  }
0x2: {  	s2 =	rddreg [dreg:$0x1];
	s7 =	stileid.u32  }
0x3: {  	s8 =	rddreg [dreg:$0x2];
	s10 =	simm.s32 $0x4;
	s11 =	simm.s32 $0xB400  }
0x4: {  	s12 =	simm.s32 $0xBC00;
	s13 =	simm.s32 $0xC400;
	s14 =	simm.s32 $0xCC00  }
0x5: {  	s15 =	simm.s32 $0xD400;
	s16 =	simm.s32 $0xDC00;
	s17 =	simm.s32 $0xE400  }
0x6: {  	s18 =	simm.s32 $0xEC00;
	s19 =	simm.s32 $0xF400;
	s20 =	simm.s32 $0xFC00  }
0x7: {  	s21 =	simm.s32 $0x0;
	s1 =	sand.u32 $0x1, s1;
	s3 =	sshll.u32 s7, $0xA  }
0x8: {  	s6 =	sadd.s32 $0x200, s2;
	s31 =	sshll.u32 s7, $0x11;
	s7 =	sadd.s32 $0x300, s2  }
0x9: {  	s4 =	sshll.u32 s1, $0x9;
	s5 =	ssub.s32 $0x2, s1;
	s1 =	sshll.u32 s1, $0x10  }
.Ltmp0:
0xa: {  	s4 =	sor.u32 s4, s3;
	s3 =	simm.s32 $0x0;
	(pc) =	sbr.rel .LBB2_1-.Ltmp0, $4  }
0xb: {  	s30 =	sshrl.u32 s5, $0x1;
	s4 =	sshrl.u32 s4, $0x3;
	[smem:$0x7FF] =	sst s3  }
0xc: {  	v2 =	vlaneseq.u32;
	s9 =	ssub.s32 s5, s30;
	s5 =	sadd.s32 $0x100, s2;
	s0 =	sadd.s32 s4, s0  }
0xd: {  	vm0 =	vmmov $0xffff;
	v1 =	vshrl.u32 v2, $0x3;
	_ =	strace $0x8000004A;
	s4 =	sadd.s32 $0x201C00, s0;
	s0 =	sadd.s32 s31, s8  }
0xe: {  	v0 =	vand.u32 $0x7, v2;
	v2 =	vor.u32 $0x8, v2;
	v1 =	vmul.u32 $0x8, v1;
	s8 =	smax.u32 s9, $0x1;
	s24 =	sadd.s32 s1, s0;
	s0 =	simm.s32 $0xAC00  }
.LBB2_5:
0xf: {  	s21 =	sadd.s32 $0x1, s21  }
0x10: {  	p0 =	sne.s32 s21, s8  }
.Ltmp1:
0x11: {  	_ = 	snop;
	(pc) =	sbr.rel @!p0 .LBB2_6-.Ltmp1, $1  }
0x12: {  	_ =	sdelay $0x3  }
.LBB2_1:
0x13: {  	[tilespmem:s3], [sflag:$0x4] =	stream.linear.gather [hbm4b:s4+s3], $0x200, $0x38;
	[tilespmem:$0x18400] =	vst v63  }
0x14: {  	_ =	swait.ge [sflag:s10], $0x200  }
0x15: {  	[sflag:s10] =	ssyncset.done $0x0  }
0x16: {  	[sflag:s10] =	ssyncadd.s32 $0xFFFFFE00  }
0x17: {  	v3 =	vld [tilespmem:$0x0];
	_ =	sdelay $0x4  }
0x18: {  	v4 =	vshll.u32 v3, $0x3  }
0x19: {  	v5 =	vand.u32 $0x7, v3;
	v4 =	vand.u32 $0xFFFFFFC0, v4  }
0x1a: {  	v4 =	vor.u32 v5, v4  }
0x1b: {  	v5 =	vperm.xlane v4, v0  }
0x1c: {  	v6 =	vld [tilespmem:$0x10]  }
0x1d: {  	v5 =	vadd.s32 v1, v5;
	_ =	sdelay $0x2  }
0x1e: {  	[tilespmem:$0x200] =	vst v3  }
0x1f: {  	s1 =	simm.s32 $0x400;
	[tilespmem:$0x210] =	vst v6  }
0x20: {  	[tilespmem:s1], [sflag:$0x1] =	stream.indirect_vreg.gather [hbm4b:s2+s3], $0x80, v5, vm0, $0xb8;
	[tilespmem:$0x18400] =	vst v63  }
0x21: {  	s26 =	simm.s32 $0xC00;
	v3 =	vperm.xlane v4, v2  }
0x22: {  	[tilespmem:s26], [sflag:$0x1] =	stream.indirect_vreg.gather [hbm4b:s5+s3], $0x80, v5, vm0, $0xb8;
	[tilespmem:$0x18400] =	vst v63  }
0x23: {  	s29 =	simm.s32 $0x1400;
	v3 =	vadd.s32 v1, v3  }
0x24: {  	[tilespmem:s29], [sflag:$0x1] =	stream.indirect_vreg.gather [hbm4b:s6+s3], $0x80, v5, vm0, $0xb8;
	[tilespmem:$0x18400] =	vst v63  }
0x25: {  	s30 =	simm.s32 $0x1C00  }
0x26: {  	[tilespmem:s30], [sflag:$0x1] =	stream.indirect_vreg.gather [hbm4b:s7+s3], $0x80, v5, vm0, $0xb8;
	[tilespmem:$0x18400] =	vst v63  }
0x27: {  	s31 =	simm.s32 $0x2400  }
0x28: {  	[tilespmem:s31], [sflag:$0x1] =	stream.indirect_vreg.gather [hbm4b:s2+s3], $0x80, v3, vm0, $0xb8;
	[tilespmem:$0x18400] =	vst v63  }
0x29: {  	s9 =	simm.s32 $0x2C00  }
0x2a: {  	[tilespmem:s9], [sflag:$0x1] =	stream.indirect_vreg.gather [hbm4b:s5+s3], $0x80, v3, vm0, $0xb8;
	[tilespmem:$0x18400] =	vst v63  }
0x2b: {  	s22 =	simm.s32 $0x3400  }
0x2c: {  	[tilespmem:s22], [sflag:$0x1] =	stream.indirect_vreg.gather [hbm4b:s6+s3], $0x80, v3, vm0, $0xb8;
	[tilespmem:$0x18400] =	vst v63  }
0x2d: {  	s23 =	simm.s32 $0x3C00  }
0x2e: {  	[tilespmem:s23], [sflag:$0x1] =	stream.indirect_vreg.gather [hbm4b:s7+s3], $0x80, v3, vm0, $0xb8;
	[tilespmem:$0x18400] =	vst v63  }
0x2f: {  	v3 =	vld [tilespmem:$0x210];
	_ =	sdelay $0x4  }
0x30: {  	v59 =	vshll.u32 v3, $0x3  }
0x31: {  	v3 =	vand.u32 $0x7, v3;
	v4 =	vand.u32 $0xFFFFFFC0, v59  }
0x32: {  	v3 =	vor.u32 v3, v4  }
0x33: {  	v4 =	vperm.xlane v3, v0;
	_ =	sdelay $0x1  }
0x34: {  	v4 =	vadd.s32 v1, v4;
	_ =	sdelay $0x3  }
0x35: {  	s25 =	simm.s32 $0x4400  }
0x36: {  	[tilespmem:s25], [sflag:$0x1] =	stream.indirect_vreg.gather [hbm4b:s2+s3], $0x80, v4, vm0, $0xb8;
	[tilespmem:$0x18400] =	vst v63  }
0x37: {  	s26 =	simm.s32 $0x4C00;
	v3 =	vperm.xlane v3, v2  }
0x38: {  	[tilespmem:s26], [sflag:$0x1] =	stream.indirect_vreg.gather [hbm4b:s5+s3], $0x80, v4, vm0, $0xb8;
	[tilespmem:$0x18400] =	vst v63  }
0x39: {  	s29 =	simm.s32 $0x5400;
	v3 =	vadd.s32 v1, v3  }
0x3a: {  	[tilespmem:s29], [sflag:$0x1] =	stream.indirect_vreg.gather [hbm4b:s6+s3], $0x80, v4, vm0, $0xb8;
	[tilespmem:$0x18400] =	vst v63  }
0x3b: {  	s30 =	simm.s32 $0x5C00  }
0x3c: {  	[tilespmem:s30], [sflag:$0x1] =	stream.indirect_vreg.gather [hbm4b:s7+s3], $0x80, v4, vm0, $0xb8;
	[tilespmem:$0x18400] =	vst v63  }
0x3d: {  	s31 =	simm.s32 $0x6400  }
0x3e: {  	[tilespmem:s31], [sflag:$0x1] =	stream.indirect_vreg.gather [hbm4b:s2+s3], $0x80, v3, vm0, $0xb8;
	[tilespmem:$0x18400] =	vst v63  }
0x3f: {  	s9 =	simm.s32 $0x6C00  }
0x40: {  	[tilespmem:s9], [sflag:$0x1] =	stream.indirect_vreg.gather [hbm4b:s5+s3], $0x80, v3, vm0, $0xb8;
	[tilespmem:$0x18400] =	vst v63  }
0x41: {  	s22 =	simm.s32 $0x7400  }
0x42: {  	[tilespmem:s22], [sflag:$0x1] =	stream.indirect_vreg.gather [hbm4b:s6+s3], $0x80, v3, vm0, $0xb8;
	[tilespmem:$0x18400] =	vst v63  }
0x43: {  	s23 =	simm.s32 $0x7C00  }
0x44: {  	[tilespmem:s23], [sflag:$0x1] =	stream.indirect_vreg.gather [hbm4b:s7+s3], $0x80, v3, vm0, $0xb8;
	[tilespmem:$0x18400] =	vst v63  }
0x45: {  	v3 =	vld [tilespmem:$0x20];
	_ =	sdelay $0x4  }
0x46: {  	v60 =	vshll.u32 v3, $0x3  }
0x47: {  	v61 =	vand.u32 $0x7, v3;
	v4 =	vand.u32 $0xFFFFFFC0, v60  }
0x48: {  	v4 =	vor.u32 v61, v4  }
0x49: {  	v5 =	vperm.xlane v4, v0  }
0x4a: {  	v62 =	vld [tilespmem:$0x30]  }
0x4b: {  	v5 =	vadd.s32 v1, v5;
	_ =	sdelay $0x2  }
0x4c: {  	[tilespmem:$0x280] =	vst v3  }
0x4d: {  	s25 =	simm.s32 $0x8400;
	[tilespmem:$0x290] =	vst v62  }
0x4e: {  	[tilespmem:s25], [sflag:$0x2] =	stream.indirect_vreg.gather [hbm4b:s2+s3], $0x80, v5, vm0, $0xb8;
	[tilespmem:$0x18400] =	vst v63  }
0x4f: {  	s26 =	simm.s32 $0x8C00;
	v3 =	vperm.xlane v4, v2  }
0x50: {  	[tilespmem:s26], [sflag:$0x2] =	stream.indirect_vreg.gather [hbm4b:s5+s3], $0x80, v5, vm0, $0xb8;
	[tilespmem:$0x18400] =	vst v63  }
0x51: {  	s29 =	simm.s32 $0x9400;
	v3 =	vadd.s32 v1, v3  }
0x52: {  	[tilespmem:s29], [sflag:$0x2] =	stream.indirect_vreg.gather [hbm4b:s6+s3], $0x80, v5, vm0, $0xb8;
	[tilespmem:$0x18400] =	vst v63  }
0x53: {  	s30 =	simm.s32 $0x9C00  }
0x54: {  	[tilespmem:s30], [sflag:$0x2] =	stream.indirect_vreg.gather [hbm4b:s7+s3], $0x80, v5, vm0, $0xb8;
	[tilespmem:$0x18400] =	vst v63  }
0x55: {  	s31 =	simm.s32 $0xA400  }
0x56: {  	[tilespmem:s31], [sflag:$0x2] =	stream.indirect_vreg.gather [hbm4b:s2+s3], $0x80, v3, vm0, $0xb8;
	[tilespmem:$0x18400] =	vst v63  }
0x57: {  	_ = 	snop  }
0x58: {  	[tilespmem:s0], [sflag:$0x2] =	stream.indirect_vreg.gather [hbm4b:s5+s3], $0x80, v3, vm0, $0xb8;
	[tilespmem:$0x18400] =	vst v63  }
0x59: {  	_ = 	snop  }
0x5a: {  	[tilespmem:s11], [sflag:$0x2] =	stream.indirect_vreg.gather [hbm4b:s6+s3], $0x80, v3, vm0, $0xb8;
	[tilespmem:$0x18400] =	vst v63  }
0x5b: {  	_ = 	snop  }
0x5c: {  	[tilespmem:s12], [sflag:$0x2] =	stream.indirect_vreg.gather [hbm4b:s7+s3], $0x80, v3, vm0, $0xb8;
	[tilespmem:$0x18400] =	vst v63  }
0x5d: {  	v3 =	vld [tilespmem:$0x290];
	_ =	sdelay $0x4  }
0x5e: {  	v63 =	vshll.u32 v3, $0x3  }
0x5f: {  	v3 =	vand.u32 $0x7, v3;
	v4 =	vand.u32 $0xFFFFFFC0, v63  }
0x60: {  	v3 =	vor.u32 v3, v4  }
0x61: {  	v4 =	vperm.xlane v3, v0;
	_ =	sdelay $0x1  }
0x62: {  	v4 =	vadd.s32 v1, v4;
	_ =	sdelay $0x4  }
0x63: {  	[tilespmem:s13], [sflag:$0x2] =	stream.indirect_vreg.gather [hbm4b:s2+s3], $0x80, v4, vm0, $0xb8;
	[tilespmem:$0x18400] =	vst v63  }
0x64: {  	v3 =	vperm.xlane v3, v2  }
0x65: {  	[tilespmem:s14], [sflag:$0x2] =	stream.indirect_vreg.gather [hbm4b:s5+s3], $0x80, v4, vm0, $0xb8;
	[tilespmem:$0x18400] =	vst v63  }
0x66: {  	v3 =	vadd.s32 v1, v3  }
0x67: {  	[tilespmem:s15], [sflag:$0x2] =	stream.indirect_vreg.gather [hbm4b:s6+s3], $0x80, v4, vm0, $0xb8;
	[tilespmem:$0x18400] =	vst v63  }
0x68: {  	_ = 	snop  }
0x69: {  	[tilespmem:s16], [sflag:$0x2] =	stream.indirect_vreg.gather [hbm4b:s7+s3], $0x80, v4, vm0, $0xb8;
	[tilespmem:$0x18400] =	vst v63  }
0x6a: {  	_ = 	snop  }
0x6b: {  	[tilespmem:s17], [sflag:$0x2] =	stream.indirect_vreg.gather [hbm4b:s2+s3], $0x80, v3, vm0, $0xb8;
	[tilespmem:$0x18400] =	vst v63  }
0x6c: {  	_ = 	snop  }
0x6d: {  	[tilespmem:s18], [sflag:$0x2] =	stream.indirect_vreg.gather [hbm4b:s5+s3], $0x80, v3, vm0, $0xb8;
	[tilespmem:$0x18400] =	vst v63  }
.Ltmp2:
0x6e: {  	_ = 	snop;
	(pc) =	sbr.rel .LBB2_2-.Ltmp2, $4  }
0x6f: {  	s28 =	simm.s32 $0x0;
	s9 =	smov.u32 s24;
	s22 =	simm.s32 $0x50  }
0x70: {  	[tilespmem:s19], [sflag:$0x2] =	stream.indirect_vreg.gather [hbm4b:s6+s3], $0x80, v3, vm0, $0xb8;
	[tilespmem:$0x18400] =	vst v63  }
0x71: {  	s23 =	simm.s32 $0x1;
	s25 =	simm.s32 $0x0;
	s26 =	simm.s32 $0x2  }
0x72: {  	[tilespmem:s20], [sflag:$0x2] =	stream.indirect_vreg.gather [hbm4b:s7+s3], $0x80, v3, vm0, $0xb8;
	[tilespmem:$0x18400] =	vst v63  }
.LBB2_4:
0x73: {  	s1 =	sadd.s32 $0x1, s28  }
0x74: {  	s26 =	sshll.u32 s28, $0xF;
	s25 =	sadd.s32 $0x1, s25;
	_ =	swait.ge [sflag:s1], $0x8000  }
0x75: {  	s26 =	sand.u32 $0x3FFF8000, s26;
	p0 =	sne.s32 s25, $0x10;
	[sflag:s1] =	ssyncset.done $0x0  }
.Ltmp3:
0x76: {  	s31 =	sor.u32 $0x400, s26;
	[sflag:s1] =	ssyncadd.s32 $0xFFFF8000;
	(pc) =	sbr.rel @!p0 .LBB2_5-.Ltmp3, $4  }
0x77: {  	[hbm4b:s9+s3] =	stream.linear.scatter [tilespmem:s31], [sflag:$0x4], $0x8000, $0x38;
	[tilespmem:$0x18400] =	vst v63  }
0x78: {  	_ =	swait.ge [sflag:s10], $0x8000  }
0x79: {  	s22 =	sadd.s32 $0x20, s22;
	s26 =	smov.u32 s28;
	[sflag:s10] =	ssyncset.done $0x0  }
0x7a: {  	s28 =	smov.u32 s29;
	s9 =	sadd.s32 $0x1000, s9;
	[sflag:s10] =	ssyncadd.s32 $0xFFFF8000  }
.LBB2_2:
0x7b: {  	p0 =	sgt.u32 s25, $0xD  }
.Ltmp4:
0x7c: {  	_ = 	snop;
	(pc) =	sbr.rel @p0 .LBB2_4-.Ltmp4, $2  }
0x7d: {  	_ =	sdelay $0x2  }
0x7e: {  	s29 =	smov.u32 s23;
	s23 =	smov.u32 s26  }
0x7f: {  	v3 =	vld [tilespmem:s22+$0xFFFFFFF0];
	_ =	sdelay $0x4  }
0x80: {  	v4 =	vshll.u32 v3, $0x3  }
0x81: {  	v5 =	vand.u32 $0x7, v3;
	v4 =	vand.u32 $0xFFFFFFC0, v4  }
0x82: {  	v4 =	vor.u32 v5, v4  }
0x83: {  	v5 =	vperm.xlane v4, v0  }
0x84: {  	v6 =	vld [tilespmem:s22+$0x0]  }
0x85: {  	v5 =	vadd.s32 v1, v5  }
0x86: {  	s26 =	sshll.u32 s23, $0x7  }
0x87: {  	s30 =	sshll.u32 s23, $0xF;
	s26 =	sand.u32 $0x3FFFFF80, s26  }
0x88: {  	s30 =	sand.u32 $0x3FFF8000, s30;
	[tilespmem:s26+$0x200] =	vst v3  }
0x89: {  	s1 =	sadd.s32 $0x1, s23;
	s31 =	sor.u32 $0x400, s30;
	[tilespmem:s26+$0x210] =	vst v6  }
0x8a: {  	[tilespmem:s31], [sflag:s1] =	stream.indirect_vreg.gather [hbm4b:s2+s3], $0x80, v5, vm0, $0xb8;
	[tilespmem:$0x18400] =	vst v63  }
0x8b: {  	v3 =	vperm.xlane v4, v2;
	s31 =	sor.u32 $0xC00, s30  }
0x8c: {  	[tilespmem:s31], [sflag:s1] =	stream.indirect_vreg.gather [hbm4b:s5+s3], $0x80, v5, vm0, $0xb8;
	[tilespmem:$0x18400] =	vst v63  }
0x8d: {  	v3 =	vadd.s32 v1, v3;
	s31 =	sor.u32 $0x1400, s30  }
0x8e: {  	[tilespmem:s31], [sflag:s1] =	stream.indirect_vreg.gather [hbm4b:s6+s3], $0x80, v5, vm0, $0xb8;
	[tilespmem:$0x18400] =	vst v63  }
0x8f: {  	s31 =	sor.u32 $0x1C00, s30  }
0x90: {  	[tilespmem:s31], [sflag:s1] =	stream.indirect_vreg.gather [hbm4b:s7+s3], $0x80, v5, vm0, $0xb8;
	[tilespmem:$0x18400] =	vst v63  }
0x91: {  	s31 =	sor.u32 $0x2400, s30  }
0x92: {  	[tilespmem:s31], [sflag:s1] =	stream.indirect_vreg.gather [hbm4b:s2+s3], $0x80, v3, vm0, $0xb8;
	[tilespmem:$0x18400] =	vst v63  }
0x93: {  	s31 =	sor.u32 $0x2C00, s30  }
0x94: {  	[tilespmem:s31], [sflag:s1] =	stream.indirect_vreg.gather [hbm4b:s5+s3], $0x80, v3, vm0, $0xb8;
	[tilespmem:$0x18400] =	vst v63  }
0x95: {  	s31 =	sor.u32 $0x3400, s30  }
0x96: {  	[tilespmem:s31], [sflag:s1] =	stream.indirect_vreg.gather [hbm4b:s6+s3], $0x80, v3, vm0, $0xb8;
	[tilespmem:$0x18400] =	vst v63  }
0x97: {  	s31 =	sor.u32 $0x3C00, s30  }
0x98: {  	[tilespmem:s31], [sflag:s1] =	stream.indirect_vreg.gather [hbm4b:s7+s3], $0x80, v3, vm0, $0xb8;
	[tilespmem:$0x18400] =	vst v63  }
0x99: {  	v3 =	vld [tilespmem:s26+$0x210];
	_ =	sdelay $0x4  }
0x9a: {  	v63 =	vshll.u32 v3, $0x3  }
0x9b: {  	v3 =	vand.u32 $0x7, v3;
	v4 =	vand.u32 $0xFFFFFFC0, v63  }
0x9c: {  	v3 =	vor.u32 v3, v4  }
0x9d: {  	v4 =	vperm.xlane v3, v0;
	_ =	sdelay $0x1  }
0x9e: {  	v4 =	vadd.s32 v1, v4;
	_ =	sdelay $0x3  }
0x9f: {  	s31 =	sor.u32 $0x4400, s30  }
0xa0: {  	[tilespmem:s31], [sflag:s1] =	stream.indirect_vreg.gather [hbm4b:s2+s3], $0x80, v4, vm0, $0xb8;
	[tilespmem:$0x18400] =	vst v63  }
0xa1: {  	v3 =	vperm.xlane v3, v2;
	s31 =	sor.u32 $0x4C00, s30  }
0xa2: {  	[tilespmem:s31], [sflag:s1] =	stream.indirect_vreg.gather [hbm4b:s5+s3], $0x80, v4, vm0, $0xb8;
	[tilespmem:$0x18400] =	vst v63  }
0xa3: {  	v3 =	vadd.s32 v1, v3;
	s31 =	sor.u32 $0x5400, s30  }
0xa4: {  	[tilespmem:s31], [sflag:s1] =	stream.indirect_vreg.gather [hbm4b:s6+s3], $0x80, v4, vm0, $0xb8;
	[tilespmem:$0x18400] =	vst v63  }
0xa5: {  	s31 =	sor.u32 $0x5C00, s30  }
0xa6: {  	[tilespmem:s31], [sflag:s1] =	stream.indirect_vreg.gather [hbm4b:s7+s3], $0x80, v4, vm0, $0xb8;
	[tilespmem:$0x18400] =	vst v63  }
0xa7: {  	s31 =	sor.u32 $0x6400, s30  }
0xa8: {  	[tilespmem:s31], [sflag:s1] =	stream.indirect_vreg.gather [hbm4b:s2+s3], $0x80, v3, vm0, $0xb8;
	[tilespmem:$0x18400] =	vst v63  }
0xa9: {  	s31 =	sor.u32 $0x6C00, s30  }
0xaa: {  	[tilespmem:s31], [sflag:s1] =	stream.indirect_vreg.gather [hbm4b:s5+s3], $0x80, v3, vm0, $0xb8;
	[tilespmem:$0x18400] =	vst v63  }
.Ltmp5:
0xab: {  	_ = 	snop;
	(pc) =	sbr.rel .LBB2_4-.Ltmp5, $4  }
0xac: {  	s31 =	sor.u32 $0x7400, s30  }
0xad: {  	[tilespmem:s31], [sflag:s1] =	stream.indirect_vreg.gather [hbm4b:s6+s3], $0x80, v3, vm0, $0xb8;
	[tilespmem:$0x18400] =	vst v63  }
0xae: {  	s31 =	sor.u32 $0x7C00, s30  }
0xaf: {  	[tilespmem:s31], [sflag:s1] =	stream.indirect_vreg.gather [hbm4b:s7+s3], $0x80, v3, vm0, $0xb8;
	[tilespmem:$0x18400] =	vst v63  }
.LBB2_6:
0xb0: {  	_ =	sfence.sel $0x180000  }
0xb1: {  	[bflag:$0x0] =	sbarrier.arrive $0xFFFF  }
0xb2: {  	_ =	strace $0x9000004A  }
0xb3: {  	s0 =	stileid.u32;
	[bflag:$0x2] =	sbarrier.arrive $0xFFFF  }
0xb4: {  	p0 =	sne.s32 s0, $0x0;
	s0 =	rddreg [dreg:$0x3]  }
0xb5: {  	s0 =	sadd.s32 @!p0 $0x100000, s0  }
0xb6: {  	[sflag:s0] =	ssyncadd.tile.s32 @!p0 $0x1;
	_ =	shalt  }
.Lfunc_end2:
_tile_overlayer_lowered:
.L_overlay_start_2:
0xb7: {  	(tag) =	ssettag $0x2  }
0xb8: {  	s0 =	rddreg [dreg:$0x0];
	s2 =	stileid.u32  }
0xb9: {  	s1 =	rddreg [dreg:$0x1];
	p0 =	sne.s32 s2, $0x0  }
0xba: {  	s3 =	rddreg [dreg:$0x2];
	[bflag:$0x3] =	sbarrier.arrive $0xFFFF;
	s2 =	simm.s32 @!p0 $0x1C04  }
0xbb: {  	[timem:s3], [sflag:s2] =	dma.local @!p0 [hbm:s0], s1  }
0xbc: {  	s0 =	simm.s32 @!p0 $0x4  }
0xbd: {  	_ =	swait.ge @!p0 [sflag:s0], s1  }
0xbe: {  	s1 =	ssub.s32 @!p0 $0x0, s1;
	[sflag:s0] =	ssyncset.done @!p0 $0x0  }
0xbf: {  	[sflag:s0] =	ssyncadd.s32 @!p0 s1  }
0xc0: {  	[bflag:$0x3] =	sbarrier.arrive $0xFFFF  }
0xc1: {  	_ =	shalt  }

// kernel: kernel.9.cloned.1.call-start
scs
__scs_entry_jumppad:
0x0: {  	(pc) =	sbr.rel $0x88, $3  }
0x1: {  	(tag) =	ssettag $0x0;
	lr =	simm.s32 $0x1  }
0x2: {  	[smem:$0x3F9A] =	sst lr;
	_ =	strace $0xD0000000  }
0x3: {  	_ = 	snop  }
0x4: {  	_ = 	snop  }
0x5: {  	_ = 	snop  }
0x6: {  	_ = 	snop  }
0x7: {  	_ = 	snop  }
__scs_overlays_trampoline_lowered:
0x8: {  	[smem:$0x3FA9] =	sst s0  }
0x9: {  	[smem:$0x3FAA] =	sst s1  }
0xa: {  	[smem:$0x3FAB] =	sst s2  }
0xb: {  	[smem:$0x3FAC] =	sst s3  }
0xc: {  	[smem:$0x3FAD] =	sst s4  }
0xd: {  	[smem:$0x3FAE] =	sst s5  }
0xe: {  	[smem:$0x3FAF] =	sst s6  }
0xf: {  	[smem:$0x3FB0] =	sst s7  }
0x10: {  	[smem:$0x3FB1] =	sst s8  }
0x11: {  	[smem:$0x3FB2] =	sst s9;
	s0 =	simm.s32 @!p0 $0x0  }
0x12: {  	s1 =	sld [smem:$0x3F98];
	s0 =	simm.s32 @p0 $0x1  }
0x13: {  	[smem:$0x3FB3] =	sst s0;
	s0 =	simm.s32 @!p1 $0x0  }
0x14: {  	s2 =	sld [smem:$0x3F97];
	s0 =	simm.s32 @p1 $0x1  }
0x15: {  	[smem:$0x3FB4] =	sst s0;
	s0 =	simm.s32 @!p2 $0x0  }
0x16: {  	s3 =	sld [smem:$0x3FDB];
	s0 =	simm.s32 @p2 $0x1  }
0x17: {  	s4 =	simm.s32 $0x1BF5;
	[smem:$0x3FB6] =	sst s0  }
0x18: {  	s0 =	sld [smem:$0x3F99];
	_ =	swait.ge [sflag:s4], $0x0  }
0x19: {  	s7 =	sld [smem:$0x3F9A]  }
0x1a: {  	s8 =	sadd.s32 $0xFFFFE003, lr  }
0x1b: {  	s9 =	sadd.s32 $0xFFFFFEF7, lr;
	s5 =	simm.s32 $0xFFFFFFFF;
	p2 =	slt.u32 s8, $0xFFFFF086  }
0x1c: {  	p1 =	slt.u32 s9, $0xF7A;
	s5 =	simm.s32 @!p2 $0x0  }
0x1d: {  	s5 =	simm.s32 @p1 $0x1;
	p0 =	seq.s32 s7, s2  }
0x1e: {  	s7 =	smul.u32 @!p0 $0xF7A, s2;
	p2 =	seq.s32 @!p0 s5, $0x0  }
0x1f: {  	s9 =	smul.u32 $0xF7A, s1;
	s8 =	simm.s32 @!p0 $0x1BF5;
	p2 =	por !p2, p0  }
0x20: {  	[sflag:s8] =	ssyncset.s32 @!p0 $0xFFFFF086;
	s6 =	sadd.s32 @!p0 s3, s7;
	s7 =	simm.s32 @!p0 $0x108  }
0x21: {  	s3 =	sadd.s32 s3, s9;
	s6 =	sadd.s32 @!p0 $0x88, s6;
	s7 =	simm.s32 @p2 $0x1082  }
0x22: {  	[simem:s7], [sflag:s8] =	dma.local @!p0 [hbm:s6], $0xF7A  }
0x23: {  	s9 =	sor.u32 $0xD0000000, s2;
	s6 =	simm.s32 $0x108;
	_ =	swait.ge @!p0 [sflag:s8], $0x0  }
0x24: {  	s3 =	sadd.s32 $0x88, s3;
	s6 =	simm.s32 @!p1 $0x1082;
	[sflag:s4] =	ssyncset.s32 $0xFFFFF086  }
0x25: {  	[simem:s6], [sflag:s4] =	dma.local [hbm:s3], $0xF7A  }
0x26: {  	[smem:$0x3F9A] =	sst s1;
	(tag) =	ssettag s2;
	_ =	strace s9  }
0x27: {  	s1 =	sld [smem:$0x3FAA]  }
0x28: {  	s2 =	sld [smem:$0x3FAB]  }
0x29: {  	s4 =	sld [smem:$0x3FAD]  }
0x2a: {  	p0 =	seq.s32 s5, $0x0;
	s5 =	sld [smem:$0x3FAE]  }
0x2b: {  	s6 =	sld [smem:$0x3FAF]  }
0x2c: {  	s7 =	sld [smem:$0x3FB0]  }
0x2d: {  	s3 =	simm.s32 $0x108;
	s8 =	sld [smem:$0x3FB1]  }
0x2e: {  	s3 =	simm.s32 @!p0 $0x1082;
	s9 =	sld [smem:$0x3FB2]  }
0x2f: {  	lr =	sadd.s32 s0, s3;
	s0 =	sld [smem:$0x3FA9]  }
0x30: {  	s3 =	sld [smem:$0x3FAC]  }
0x31: {  	[smem:$0x3FB5] =	sst s10  }
0x32: {  	s10 =	sld [smem:$0x3FB3];
	_ =	sdelay $0x3  }
0x33: {  	p0 =	seq.s32 s10, $0x1;
	s10 =	sld [smem:$0x3FB5];
	_ =	sdelay $0x3  }
0x34: {  	[smem:$0x3FB5] =	sst s10  }
0x35: {  	s10 =	sld [smem:$0x3FB4];
	_ =	sdelay $0x3  }
0x36: {  	p1 =	seq.s32 s10, $0x1;
	s10 =	sld [smem:$0x3FB5];
	_ =	sdelay $0x3  }
0x37: {  	[smem:$0x3FB5] =	sst s10  }
0x38: {  	s10 =	sld [smem:$0x3FB6]  }
0x39: {  	_ = 	snop;
	(pc) =	sbr.ind lr, $3  }
0x3a: {  	_ = 	snop  }
0x3b: {  	_ = 	snop  }
0x3c: {  	p2 =	seq.s32 s10, $0x1;
	s10 =	sld [smem:$0x3FB5]  }
0x3d: {  	_ =	shalt  }
0x3e: {  	_ =	shalt  }
0x3f: {  	_ =	shalt  }
0x40: {  	_ =	shalt  }
0x41: {  	_ =	shalt  }
0x42: {  	_ =	shalt  }
0x43: {  	_ =	shalt  }
0x44: {  	_ =	shalt  }
0x45: {  	_ =	shalt  }
0x46: {  	_ =	shalt  }
0x47: {  	_ =	shalt  }
0x48: {  	_ =	shalt  }
0x49: {  	_ =	shalt  }
0x4a: {  	_ =	shalt  }
0x4b: {  	_ =	shalt  }
0x4c: {  	_ =	shalt  }
0x4d: {  	_ =	shalt  }
0x4e: {  	_ =	shalt  }
0x4f: {  	_ =	shalt  }
0x50: {  	_ =	shalt  }
0x51: {  	_ =	shalt  }
0x52: {  	_ =	shalt  }
0x53: {  	_ =	shalt  }
0x54: {  	_ =	shalt  }
0x55: {  	_ =	shalt  }
0x56: {  	_ =	shalt  }
0x57: {  	_ =	shalt  }
0x58: {  	_ =	shalt  }
0x59: {  	_ =	shalt  }
0x5a: {  	_ =	shalt  }
0x5b: {  	_ =	shalt  }
0x5c: {  	_ =	shalt  }
0x5d: {  	_ =	shalt  }
0x5e: {  	_ =	shalt  }
0x5f: {  	_ =	shalt  }
0x60: {  	_ =	shalt  }
0x61: {  	_ =	shalt  }
0x62: {  	_ =	shalt  }
0x63: {  	_ =	shalt  }
0x64: {  	_ =	shalt  }
0x65: {  	_ =	shalt  }
0x66: {  	_ =	shalt  }
0x67: {  	_ =	shalt  }
0x68: {  	_ =	shalt  }
0x69: {  	_ =	shalt  }
0x6a: {  	_ =	shalt  }
0x6b: {  	_ =	shalt  }
0x6c: {  	_ =	shalt  }
0x6d: {  	_ =	shalt  }
0x6e: {  	_ =	shalt  }
0x6f: {  	_ =	shalt  }
0x70: {  	_ =	shalt  }
0x71: {  	_ =	shalt  }
0x72: {  	_ =	shalt  }
0x73: {  	_ =	shalt  }
0x74: {  	_ =	shalt  }
0x75: {  	_ =	shalt  }
0x76: {  	_ =	shalt  }
0x77: {  	_ =	shalt  }
0x78: {  	_ =	shalt  }
0x79: {  	_ =	shalt  }
0x7a: {  	_ =	shalt  }
0x7b: {  	_ =	shalt  }
0x7c: {  	_ =	shalt  }
0x7d: {  	_ =	shalt  }
0x7e: {  	_ =	shalt  }
0x7f: {  	_ =	shalt  }
0x80: {  	_ =	shalt  }
0x81: {  	_ =	shalt  }
0x82: {  	_ =	shalt  }
0x83: {  	_ =	shalt  }
0x84: {  	_ =	shalt  }
0x85: {  	_ =	shalt  }
0x86: {  	_ =	shalt  }
0x87: {  	_ =	shalt  }
.Lfunc_end0:
.L_simem_size_0:
called_computation.1_lowered:
.L_overlay_start_0:
0x88: {  	s2 =	sld [smem:$0x3FD9]  }
0x89: {  	s3 =	sld [smem:$0x3FFE];
	_ =	sdelay $0x1  }
0x8a: {  	s1 =	srdreg.scid  }
0x8b: {  	s0 =	sand.u32 $0x1, s1  }
0x8c: {  	s17 =	sshll.u32 s0, $0xA;
	s2 =	sadd.s32 s3, s2  }
0x8d: {  	s2 =	sadd.s32 s2, s17  }
0x8e: {  	[smem:$0x3FC1] =	sst s2  }
0x8f: {  	_ = 	snop  }
0x90: {  	s2 =	sld [smem:$0x3FC7];
	(tm) =	ssettm $0x1  }
0x91: {  	s18 =	sld [smem:$0x3FFB];
	_ =	sdelay $0x3  }
0x92: {  	_ =	strace s18  }
0x93: {  	s3 =	sld [smem:$0x3FFC];
	_ =	sdelay $0x3  }
0x94: {  	_ =	strace s3  }
0x95: {  	s3 =	sld [smem:$0x3FFD];
	_ =	sdelay $0x3  }
0x96: {  	_ =	strace s3  }
0x97: {  	_ =	strace $0x8FFFFFFF  }
0x98: {  	s19 =	sld [smem:$0x3FDB];
	_ =	sdelay $0x1  }
0x99: {  	s4 =	simm.s32 $_scs_section_size  }
0x9a: {  	s5 =	simm.s32 $_size__tile_overlayer_lowered;
	s6 =	simm.s32 $_tile_overlayer_lowered  }
0x9b: {  	s22 =	simm.s32 $0x1BFF;
	s21 =	sshll.u32 s6, $0x1;
	s3 =	sadd.s32 s4, s19  }
0x9c: {  	s7 =	simm.s32 $0x0;
	s20 =	sshll.u32 s5, $0x1;
	s5 =	sadd.s32 s21, s3  }
0x9d: {  	[timem:s7], [sflag:s22] =	dma.local [hbm:s5], s20  }
0x9e: {  	_ =	swait.ge [sflag:s22], s20  }
0x9f: {  	s4 =	ssub.s32 $0x0, s20;
	[sflag:s22] =	ssyncset.done $0x0  }
0xa0: {  	[sflag:s22] =	ssyncadd.s32 s4;
	_ =	sdelay $0x1  }
0xa1: {  	s23 =	simm.s32 $0x1B8B  }
0xa2: {  	_ =	swait.ge [sflag:s23], $0x1  }
0xa3: {  	[sflag:s23] =	ssyncset.done $0x0  }
0xa4: {  	s25 =	simm.s32 $0x1B8E;
	s24 =	sld [smem:$0x3FFE];
	[sflag:s23] =	ssyncadd.s32 $0xFFFFFFFF  }
0xa5: {  	s26 =	simm.s32 $execute0_lowered;
	[smem:$0x3FD2] =	sst s25  }
0xa6: {  	s5 =	sshll.u32 s26, $0x1;
	_ =	strace $0x80000046;
	[dreg:$0x1] =	wrdreg $0xFFFFFFFF  }
0xa7: {  	s28 =	simm.s32 $_size_execute0_lowered;
	s3 =	sadd.s32 s3, s5;
	[dreg:$0x0] =	wrdreg $0x0  }
0xa8: {  	s5 =	sshll.u32 s28, $0x1;
	[dreg:$0x2] =	wrdreg s3  }
0xa9: {  	[dreg:$0x3] =	wrdreg s5  }
0xaa: {  	[dreg:$0x4] =	wrdreg $0xC0  }
0xab: {  	_ =	task [dreg:s7], $0x5FFFF  }
0xac: {  	[dreg:$0x1] =	wrdreg $0xFFFFFFFF  }
0xad: {  	[dreg:$0x0] =	wrdreg $0x60  }
0xae: {  	[dreg:$0x2] =	wrdreg s24  }
0xaf: {  	[dreg:$0x3] =	wrdreg s2  }
0xb0: {  	[dreg:$0x4] =	wrdreg $0xA  }
0xb1: {  	_ =	task.clear_ibuf [dreg:s7], $0x5FFFF;
	_ =	strace $0x90000046  }
0xb2: {  	s29 =	simm.s32 $0xA;
	_ =	strace $0x80000048  }
0xb3: {  	_ =	swait.ge [sflag:s29], $0x1  }
0xb4: {  	[sflag:s29] =	ssyncadd.s32 $0xFFFFFFFF  }
0xb5: {  	_ =	strace $0x90000048  }
0xb6: {  	_ =	sfence  }
0xb7: {  	s30 =	sld [smem:$0x0];
	_ =	sdelay $0x2  }
0xb8: {  	s31 =	sshll.u32 s1, $0xD;
	s1 =	sshrl.u32 s1, $0x2  }
0xb9: {  	s3 =	sand.u32 $0x4000, s31;
	s1 =	sadd.s32 s1, s30  }
0xba: {  	s0 =	sor.u32 s3, s0;
	s1 =	sshll.u32 s1, $0x11  }
0xbb: {  	s0 =	sor.u32 s1, s0  }
0xbc: {  	s0 =	sadd.s32 $0x8F2B, s0  }
0xbd: {  	[sflag:s0] =	ssyncadd.remote.s32 $0x1  }
0xbe: {  	_ =	sfence.sel $0xFFFF  }
0xbf: {  	[dreg:$0x0] =	wrdreg $0xFFFFFFFF;
	(pc) =	sbr.abs _section_cstart, $3  }
0xc0: {  	[dreg:$0x1] =	wrdreg $0xFFFFFFFF  }
0xc1: {  	_ =	task.clear_ibuf [dreg:s7], $0x2FFFF;
	_ =	strace $0x9FFFFFFF  }
0xc2: {  	(tm) =	ssettm $0x7FFFFFFF  }
0xc3: {  	_ =	shalt  }
tec
execute0_lowered:
.L_overlay_start_1:
0x0: {  	(tag) =	ssettag $0x1  }
0x1: {  	s0 =	rddreg [dreg:$0x0]  }
0x2: {  	s2 =	rddreg [dreg:$0x1];
	s1 =	srdreg.scid;
	s3 =	simm.s32 $0x0  }
0x3: {  	s6 =	stileid.u32;
	s10 =	simm.s32 $0x4;
	s11 =	simm.s32 $0xB400  }
0x4: {  	s12 =	simm.s32 $0xBC00;
	s13 =	simm.s32 $0xC400;
	s14 =	simm.s32 $0xCC00  }
0x5: {  	s15 =	simm.s32 $0xD400;
	s16 =	simm.s32 $0xDC00;
	s17 =	simm.s32 $0xE400  }
0x6: {  	s18 =	simm.s32 $0xEC00;
	s19 =	simm.s32 $0xF400;
	s20 =	simm.s32 $0xFC00  }
0x7: {  	s21 =	simm.s32 $0x0;
	s1 =	sand.u32 $0x1, s1;
	[smem:$0x7FF] =	sst s3  }
0x8: {  	s4 =	sshll.u32 s6, $0xA;
	s6 =	sshll.u32 s6, $0x11;
	s5 =	sshll.u32 s1, $0x9  }
0x9: {  	_ =	strace $0x80000047;
	s31 =	ssub.s32 $0x2, s1;
	s1 =	sshll.u32 s1, $0x10  }
.Ltmp0:
0xa: {  	s4 =	sor.u32 s5, s4;
	s7 =	sshrl.u32 s31, $0x1;
	(pc) =	sbr.rel .LBB2_1-.Ltmp0, $4  }
0xb: {  	s5 =	sadd.s32 $0x100, s2;
	s4 =	sshrl.u32 s4, $0x3;
	s8 =	ssub.s32 s31, s7  }
0xc: {  	v2 =	vlaneseq.u32;
	s7 =	sadd.s32 $0x300, s2;
	s4 =	sadd.s32 s4, s0;
	s0 =	sadd.s32 s6, s0  }
0xd: {  	vm0 =	vmmov $0xffff;
	v1 =	vshrl.u32 v2, $0x3;
	s6 =	sadd.s32 $0x200, s2;
	s8 =	smax.u32 s8, $0x1;
	s0 =	sadd.s32 s1, s0  }
0xe: {  	v0 =	vand.u32 $0x7, v2;
	v2 =	vor.u32 $0x8, v2;
	v1 =	vmul.u32 $0x8, v1;
	s4 =	sadd.s32 $0x1400, s4;
	s1 =	simm.s32 $0xAC00;
	s24 =	sadd.s32 $0x1C00, s0  }
.LBB2_5:
0xf: {  	s21 =	sadd.s32 $0x1, s21  }
0x10: {  	p0 =	sne.s32 s21, s8  }
.Ltmp1:
0x11: {  	_ = 	snop;
	(pc) =	sbr.rel @!p0 .LBB2_6-.Ltmp1, $1  }
0x12: {  	_ =	sdelay $0x3  }
.LBB2_1:
0x13: {  	[tilespmem:s3], [sflag:$0x4] =	stream.linear.gather [hbm4b:s4+s3], $0x200, $0x38;
	[tilespmem:$0x18400] =	vst v63  }
0x14: {  	_ =	swait.ge [sflag:s10], $0x200  }
0x15: {  	[sflag:s10] =	ssyncset.done $0x0  }
0x16: {  	[sflag:s10] =	ssyncadd.s32 $0xFFFFFE00  }
0x17: {  	v3 =	vld [tilespmem:$0x0];
	_ =	sdelay $0x4  }
0x18: {  	v4 =	vshll.u32 v3, $0x3  }
0x19: {  	v5 =	vand.u32 $0x7, v3;
	v4 =	vand.u32 $0xFFFFFFC0, v4  }
0x1a: {  	v4 =	vor.u32 v5, v4  }
0x1b: {  	v5 =	vperm.xlane v4, v0  }
0x1c: {  	v6 =	vld [tilespmem:$0x10]  }
0x1d: {  	v5 =	vadd.s32 v1, v5;
	_ =	sdelay $0x2  }
0x1e: {  	[tilespmem:$0x200] =	vst v3  }
0x1f: {  	s0 =	simm.s32 $0x400;
	[tilespmem:$0x210] =	vst v6  }
0x20: {  	[tilespmem:s0], [sflag:$0x1] =	stream.indirect_vreg.gather [hbm4b:s2+s3], $0x80, v5, vm0, $0xb8;
	[tilespmem:$0x18400] =	vst v63  }
0x21: {  	s26 =	simm.s32 $0xC00;
	v3 =	vperm.xlane v4, v2  }
0x22: {  	[tilespmem:s26], [sflag:$0x1] =	stream.indirect_vreg.gather [hbm4b:s5+s3], $0x80, v5, vm0, $0xb8;
	[tilespmem:$0x18400] =	vst v63  }
0x23: {  	s29 =	simm.s32 $0x1400;
	v3 =	vadd.s32 v1, v3  }
0x24: {  	[tilespmem:s29], [sflag:$0x1] =	stream.indirect_vreg.gather [hbm4b:s6+s3], $0x80, v5, vm0, $0xb8;
	[tilespmem:$0x18400] =	vst v63  }
0x25: {  	s30 =	simm.s32 $0x1C00  }
0x26: {  	[tilespmem:s30], [sflag:$0x1] =	stream.indirect_vreg.gather [hbm4b:s7+s3], $0x80, v5, vm0, $0xb8;
	[tilespmem:$0x18400] =	vst v63  }
0x27: {  	s31 =	simm.s32 $0x2400  }
0x28: {  	[tilespmem:s31], [sflag:$0x1] =	stream.indirect_vreg.gather [hbm4b:s2+s3], $0x80, v3, vm0, $0xb8;
	[tilespmem:$0x18400] =	vst v63  }
0x29: {  	s9 =	simm.s32 $0x2C00  }
0x2a: {  	[tilespmem:s9], [sflag:$0x1] =	stream.indirect_vreg.gather [hbm4b:s5+s3], $0x80, v3, vm0, $0xb8;
	[tilespmem:$0x18400] =	vst v63  }
0x2b: {  	s22 =	simm.s32 $0x3400  }
0x2c: {  	[tilespmem:s22], [sflag:$0x1] =	stream.indirect_vreg.gather [hbm4b:s6+s3], $0x80, v3, vm0, $0xb8;
	[tilespmem:$0x18400] =	vst v63  }
0x2d: {  	s23 =	simm.s32 $0x3C00  }
0x2e: {  	[tilespmem:s23], [sflag:$0x1] =	stream.indirect_vreg.gather [hbm4b:s7+s3], $0x80, v3, vm0, $0xb8;
	[tilespmem:$0x18400] =	vst v63  }
0x2f: {  	v3 =	vld [tilespmem:$0x210];
	_ =	sdelay $0x4  }
0x30: {  	v59 =	vshll.u32 v3, $0x3  }
0x31: {  	v3 =	vand.u32 $0x7, v3;
	v4 =	vand.u32 $0xFFFFFFC0, v59  }
0x32: {  	v3 =	vor.u32 v3, v4  }
0x33: {  	v4 =	vperm.xlane v3, v0;
	_ =	sdelay $0x1  }
0x34: {  	v4 =	vadd.s32 v1, v4;
	_ =	sdelay $0x3  }
0x35: {  	s25 =	simm.s32 $0x4400  }
0x36: {  	[tilespmem:s25], [sflag:$0x1] =	stream.indirect_vreg.gather [hbm4b:s2+s3], $0x80, v4, vm0, $0xb8;
	[tilespmem:$0x18400] =	vst v63  }
0x37: {  	s26 =	simm.s32 $0x4C00;
	v3 =	vperm.xlane v3, v2  }
0x38: {  	[tilespmem:s26], [sflag:$0x1] =	stream.indirect_vreg.gather [hbm4b:s5+s3], $0x80, v4, vm0, $0xb8;
	[tilespmem:$0x18400] =	vst v63  }
0x39: {  	s29 =	simm.s32 $0x5400;
	v3 =	vadd.s32 v1, v3  }
0x3a: {  	[tilespmem:s29], [sflag:$0x1] =	stream.indirect_vreg.gather [hbm4b:s6+s3], $0x80, v4, vm0, $0xb8;
	[tilespmem:$0x18400] =	vst v63  }
0x3b: {  	s30 =	simm.s32 $0x5C00  }
0x3c: {  	[tilespmem:s30], [sflag:$0x1] =	stream.indirect_vreg.gather [hbm4b:s7+s3], $0x80, v4, vm0, $0xb8;
	[tilespmem:$0x18400] =	vst v63  }
0x3d: {  	s31 =	simm.s32 $0x6400  }
0x3e: {  	[tilespmem:s31], [sflag:$0x1] =	stream.indirect_vreg.gather [hbm4b:s2+s3], $0x80, v3, vm0, $0xb8;
	[tilespmem:$0x18400] =	vst v63  }
0x3f: {  	s9 =	simm.s32 $0x6C00  }
0x40: {  	[tilespmem:s9], [sflag:$0x1] =	stream.indirect_vreg.gather [hbm4b:s5+s3], $0x80, v3, vm0, $0xb8;
	[tilespmem:$0x18400] =	vst v63  }
0x41: {  	s22 =	simm.s32 $0x7400  }
0x42: {  	[tilespmem:s22], [sflag:$0x1] =	stream.indirect_vreg.gather [hbm4b:s6+s3], $0x80, v3, vm0, $0xb8;
	[tilespmem:$0x18400] =	vst v63  }
0x43: {  	s23 =	simm.s32 $0x7C00  }
0x44: {  	[tilespmem:s23], [sflag:$0x1] =	stream.indirect_vreg.gather [hbm4b:s7+s3], $0x80, v3, vm0, $0xb8;
	[tilespmem:$0x18400] =	vst v63  }
0x45: {  	v3 =	vld [tilespmem:$0x20];
	_ =	sdelay $0x4  }
0x46: {  	v60 =	vshll.u32 v3, $0x3  }
0x47: {  	v61 =	vand.u32 $0x7, v3;
	v4 =	vand.u32 $0xFFFFFFC0, v60  }
0x48: {  	v4 =	vor.u32 v61, v4  }
0x49: {  	v5 =	vperm.xlane v4, v0  }
0x4a: {  	v62 =	vld [tilespmem:$0x30]  }
0x4b: {  	v5 =	vadd.s32 v1, v5;
	_ =	sdelay $0x2  }
0x4c: {  	[tilespmem:$0x280] =	vst v3  }
0x4d: {  	s25 =	simm.s32 $0x8400;
	[tilespmem:$0x290] =	vst v62  }
0x4e: {  	[tilespmem:s25], [sflag:$0x2] =	stream.indirect_vreg.gather [hbm4b:s2+s3], $0x80, v5, vm0, $0xb8;
	[tilespmem:$0x18400] =	vst v63  }
0x4f: {  	s26 =	simm.s32 $0x8C00;
	v3 =	vperm.xlane v4, v2  }
0x50: {  	[tilespmem:s26], [sflag:$0x2] =	stream.indirect_vreg.gather [hbm4b:s5+s3], $0x80, v5, vm0, $0xb8;
	[tilespmem:$0x18400] =	vst v63  }
0x51: {  	s29 =	simm.s32 $0x9400;
	v3 =	vadd.s32 v1, v3  }
0x52: {  	[tilespmem:s29], [sflag:$0x2] =	stream.indirect_vreg.gather [hbm4b:s6+s3], $0x80, v5, vm0, $0xb8;
	[tilespmem:$0x18400] =	vst v63  }
0x53: {  	s30 =	simm.s32 $0x9C00  }
0x54: {  	[tilespmem:s30], [sflag:$0x2] =	stream.indirect_vreg.gather [hbm4b:s7+s3], $0x80, v5, vm0, $0xb8;
	[tilespmem:$0x18400] =	vst v63  }
0x55: {  	s31 =	simm.s32 $0xA400  }
0x56: {  	[tilespmem:s31], [sflag:$0x2] =	stream.indirect_vreg.gather [hbm4b:s2+s3], $0x80, v3, vm0, $0xb8;
	[tilespmem:$0x18400] =	vst v63  }
0x57: {  	_ = 	snop  }
0x58: {  	[tilespmem:s1], [sflag:$0x2] =	stream.indirect_vreg.gather [hbm4b:s5+s3], $0x80, v3, vm0, $0xb8;
	[tilespmem:$0x18400] =	vst v63  }
0x59: {  	_ = 	snop  }
0x5a: {  	[tilespmem:s11], [sflag:$0x2] =	stream.indirect_vreg.gather [hbm4b:s6+s3], $0x80, v3, vm0, $0xb8;
	[tilespmem:$0x18400] =	vst v63  }
0x5b: {  	_ = 	snop  }
0x5c: {  	[tilespmem:s12], [sflag:$0x2] =	stream.indirect_vreg.gather [hbm4b:s7+s3], $0x80, v3, vm0, $0xb8;
	[tilespmem:$0x18400] =	vst v63  }
0x5d: {  	v3 =	vld [tilespmem:$0x290];
	_ =	sdelay $0x4  }
0x5e: {  	v63 =	vshll.u32 v3, $0x3  }
0x5f: {  	v3 =	vand.u32 $0x7, v3;
	v4 =	vand.u32 $0xFFFFFFC0, v63  }
0x60: {  	v3 =	vor.u32 v3, v4  }
0x61: {  	v4 =	vperm.xlane v3, v0;
	_ =	sdelay $0x1  }
0x62: {  	v4 =	vadd.s32 v1, v4;
	_ =	sdelay $0x4  }
0x63: {  	[tilespmem:s13], [sflag:$0x2] =	stream.indirect_vreg.gather [hbm4b:s2+s3], $0x80, v4, vm0, $0xb8;
	[tilespmem:$0x18400] =	vst v63  }
0x64: {  	v3 =	vperm.xlane v3, v2  }
0x65: {  	[tilespmem:s14], [sflag:$0x2] =	stream.indirect_vreg.gather [hbm4b:s5+s3], $0x80, v4, vm0, $0xb8;
	[tilespmem:$0x18400] =	vst v63  }
0x66: {  	v3 =	vadd.s32 v1, v3  }
0x67: {  	[tilespmem:s15], [sflag:$0x2] =	stream.indirect_vreg.gather [hbm4b:s6+s3], $0x80, v4, vm0, $0xb8;
	[tilespmem:$0x18400] =	vst v63  }
0x68: {  	_ = 	snop  }
0x69: {  	[tilespmem:s16], [sflag:$0x2] =	stream.indirect_vreg.gather [hbm4b:s7+s3], $0x80, v4, vm0, $0xb8;
	[tilespmem:$0x18400] =	vst v63  }
0x6a: {  	_ = 	snop  }
0x6b: {  	[tilespmem:s17], [sflag:$0x2] =	stream.indirect_vreg.gather [hbm4b:s2+s3], $0x80, v3, vm0, $0xb8;
	[tilespmem:$0x18400] =	vst v63  }
0x6c: {  	_ = 	snop  }
0x6d: {  	[tilespmem:s18], [sflag:$0x2] =	stream.indirect_vreg.gather [hbm4b:s5+s3], $0x80, v3, vm0, $0xb8;
	[tilespmem:$0x18400] =	vst v63  }
.Ltmp2:
0x6e: {  	_ = 	snop;
	(pc) =	sbr.rel .LBB2_2-.Ltmp2, $4  }
0x6f: {  	s28 =	simm.s32 $0x0;
	s9 =	smov.u32 s24;
	s22 =	simm.s32 $0x50  }
0x70: {  	[tilespmem:s19], [sflag:$0x2] =	stream.indirect_vreg.gather [hbm4b:s6+s3], $0x80, v3, vm0, $0xb8;
	[tilespmem:$0x18400] =	vst v63  }
0x71: {  	s23 =	simm.s32 $0x1;
	s25 =	simm.s32 $0x0;
	s26 =	simm.s32 $0x2  }
0x72: {  	[tilespmem:s20], [sflag:$0x2] =	stream.indirect_vreg.gather [hbm4b:s7+s3], $0x80, v3, vm0, $0xb8;
	[tilespmem:$0x18400] =	vst v63  }
.LBB2_4:
0x73: {  	s0 =	sadd.s32 $0x1, s28  }
0x74: {  	s26 =	sshll.u32 s28, $0xF;
	s25 =	sadd.s32 $0x1, s25;
	_ =	swait.ge [sflag:s0], $0x8000  }
0x75: {  	s26 =	sand.u32 $0x3FFF8000, s26;
	p0 =	sne.s32 s25, $0x10;
	[sflag:s0] =	ssyncset.done $0x0  }
.Ltmp3:
0x76: {  	s31 =	sor.u32 $0x400, s26;
	[sflag:s0] =	ssyncadd.s32 $0xFFFF8000;
	(pc) =	sbr.rel @!p0 .LBB2_5-.Ltmp3, $4  }
0x77: {  	[hbm4b:s9+s3] =	stream.linear.scatter [tilespmem:s31], [sflag:$0x4], $0x8000, $0x38;
	[tilespmem:$0x18400] =	vst v63  }
0x78: {  	_ =	swait.ge [sflag:s10], $0x8000  }
0x79: {  	s22 =	sadd.s32 $0x20, s22;
	s26 =	smov.u32 s28;
	[sflag:s10] =	ssyncset.done $0x0  }
0x7a: {  	s28 =	smov.u32 s29;
	s9 =	sadd.s32 $0x1000, s9;
	[sflag:s10] =	ssyncadd.s32 $0xFFFF8000  }
.LBB2_2:
0x7b: {  	p0 =	sgt.u32 s25, $0xD  }
.Ltmp4:
0x7c: {  	_ = 	snop;
	(pc) =	sbr.rel @p0 .LBB2_4-.Ltmp4, $2  }
0x7d: {  	_ =	sdelay $0x2  }
0x7e: {  	s29 =	smov.u32 s23;
	s23 =	smov.u32 s26  }
0x7f: {  	v3 =	vld [tilespmem:s22+$0xFFFFFFF0];
	_ =	sdelay $0x4  }
0x80: {  	v4 =	vshll.u32 v3, $0x3  }
0x81: {  	v5 =	vand.u32 $0x7, v3;
	v4 =	vand.u32 $0xFFFFFFC0, v4  }
0x82: {  	v4 =	vor.u32 v5, v4  }
0x83: {  	v5 =	vperm.xlane v4, v0  }
0x84: {  	v6 =	vld [tilespmem:s22+$0x0]  }
0x85: {  	v5 =	vadd.s32 v1, v5  }
0x86: {  	s26 =	sshll.u32 s23, $0x7  }
0x87: {  	s30 =	sshll.u32 s23, $0xF;
	s26 =	sand.u32 $0x3FFFFF80, s26  }
0x88: {  	s30 =	sand.u32 $0x3FFF8000, s30;
	[tilespmem:s26+$0x200] =	vst v3  }
0x89: {  	s0 =	sadd.s32 $0x1, s23;
	s31 =	sor.u32 $0x400, s30;
	[tilespmem:s26+$0x210] =	vst v6  }
0x8a: {  	[tilespmem:s31], [sflag:s0] =	stream.indirect_vreg.gather [hbm4b:s2+s3], $0x80, v5, vm0, $0xb8;
	[tilespmem:$0x18400] =	vst v63  }
0x8b: {  	v3 =	vperm.xlane v4, v2;
	s31 =	sor.u32 $0xC00, s30  }
0x8c: {  	[tilespmem:s31], [sflag:s0] =	stream.indirect_vreg.gather [hbm4b:s5+s3], $0x80, v5, vm0, $0xb8;
	[tilespmem:$0x18400] =	vst v63  }
0x8d: {  	v3 =	vadd.s32 v1, v3;
	s31 =	sor.u32 $0x1400, s30  }
0x8e: {  	[tilespmem:s31], [sflag:s0] =	stream.indirect_vreg.gather [hbm4b:s6+s3], $0x80, v5, vm0, $0xb8;
	[tilespmem:$0x18400] =	vst v63  }
0x8f: {  	s31 =	sor.u32 $0x1C00, s30  }
0x90: {  	[tilespmem:s31], [sflag:s0] =	stream.indirect_vreg.gather [hbm4b:s7+s3], $0x80, v5, vm0, $0xb8;
	[tilespmem:$0x18400] =	vst v63  }
0x91: {  	s31 =	sor.u32 $0x2400, s30  }
0x92: {  	[tilespmem:s31], [sflag:s0] =	stream.indirect_vreg.gather [hbm4b:s2+s3], $0x80, v3, vm0, $0xb8;
	[tilespmem:$0x18400] =	vst v63  }
0x93: {  	s31 =	sor.u32 $0x2C00, s30  }
0x94: {  	[tilespmem:s31], [sflag:s0] =	stream.indirect_vreg.gather [hbm4b:s5+s3], $0x80, v3, vm0, $0xb8;
	[tilespmem:$0x18400] =	vst v63  }
0x95: {  	s31 =	sor.u32 $0x3400, s30  }
0x96: {  	[tilespmem:s31], [sflag:s0] =	stream.indirect_vreg.gather [hbm4b:s6+s3], $0x80, v3, vm0, $0xb8;
	[tilespmem:$0x18400] =	vst v63  }
0x97: {  	s31 =	sor.u32 $0x3C00, s30  }
0x98: {  	[tilespmem:s31], [sflag:s0] =	stream.indirect_vreg.gather [hbm4b:s7+s3], $0x80, v3, vm0, $0xb8;
	[tilespmem:$0x18400] =	vst v63  }
0x99: {  	v3 =	vld [tilespmem:s26+$0x210];
	_ =	sdelay $0x4  }
0x9a: {  	v63 =	vshll.u32 v3, $0x3  }
0x9b: {  	v3 =	vand.u32 $0x7, v3;
	v4 =	vand.u32 $0xFFFFFFC0, v63  }
0x9c: {  	v3 =	vor.u32 v3, v4  }
0x9d: {  	v4 =	vperm.xlane v3, v0;
	_ =	sdelay $0x1  }
0x9e: {  	v4 =	vadd.s32 v1, v4;
	_ =	sdelay $0x3  }
0x9f: {  	s31 =	sor.u32 $0x4400, s30  }
0xa0: {  	[tilespmem:s31], [sflag:s0] =	stream.indirect_vreg.gather [hbm4b:s2+s3], $0x80, v4, vm0, $0xb8;
	[tilespmem:$0x18400] =	vst v63  }
0xa1: {  	v3 =	vperm.xlane v3, v2;
	s31 =	sor.u32 $0x4C00, s30  }
0xa2: {  	[tilespmem:s31], [sflag:s0] =	stream.indirect_vreg.gather [hbm4b:s5+s3], $0x80, v4, vm0, $0xb8;
	[tilespmem:$0x18400] =	vst v63  }
0xa3: {  	v3 =	vadd.s32 v1, v3;
	s31 =	sor.u32 $0x5400, s30  }
0xa4: {  	[tilespmem:s31], [sflag:s0] =	stream.indirect_vreg.gather [hbm4b:s6+s3], $0x80, v4, vm0, $0xb8;
	[tilespmem:$0x18400] =	vst v63  }
0xa5: {  	s31 =	sor.u32 $0x5C00, s30  }
0xa6: {  	[tilespmem:s31], [sflag:s0] =	stream.indirect_vreg.gather [hbm4b:s7+s3], $0x80, v4, vm0, $0xb8;
	[tilespmem:$0x18400] =	vst v63  }
0xa7: {  	s31 =	sor.u32 $0x6400, s30  }
0xa8: {  	[tilespmem:s31], [sflag:s0] =	stream.indirect_vreg.gather [hbm4b:s2+s3], $0x80, v3, vm0, $0xb8;
	[tilespmem:$0x18400] =	vst v63  }
0xa9: {  	s31 =	sor.u32 $0x6C00, s30  }
0xaa: {  	[tilespmem:s31], [sflag:s0] =	stream.indirect_vreg.gather [hbm4b:s5+s3], $0x80, v3, vm0, $0xb8;
	[tilespmem:$0x18400] =	vst v63  }
.Ltmp5:
0xab: {  	_ = 	snop;
	(pc) =	sbr.rel .LBB2_4-.Ltmp5, $4  }
0xac: {  	s31 =	sor.u32 $0x7400, s30  }
0xad: {  	[tilespmem:s31], [sflag:s0] =	stream.indirect_vreg.gather [hbm4b:s6+s3], $0x80, v3, vm0, $0xb8;
	[tilespmem:$0x18400] =	vst v63  }
0xae: {  	s31 =	sor.u32 $0x7C00, s30  }
0xaf: {  	[tilespmem:s31], [sflag:s0] =	stream.indirect_vreg.gather [hbm4b:s7+s3], $0x80, v3, vm0, $0xb8;
	[tilespmem:$0x18400] =	vst v63  }
.LBB2_6:
0xb0: {  	_ =	sfence.sel $0x180000  }
0xb1: {  	[bflag:$0x0] =	sbarrier.arrive $0xFFFF  }
0xb2: {  	_ =	strace $0x90000047  }
0xb3: {  	s0 =	stileid.u32;
	[bflag:$0x2] =	sbarrier.arrive $0xFFFF  }
0xb4: {  	p0 =	sne.s32 s0, $0x0;
	s0 =	rddreg [dreg:$0x2]  }
0xb5: {  	s0 =	sadd.s32 @!p0 $0x100000, s0  }
0xb6: {  	[sflag:s0] =	ssyncadd.tile.s32 @!p0 $0x1;
	_ =	shalt  }
.Lfunc_end2:
_tile_overlayer_lowered:
.L_overlay_start_2:
0xb7: {  	(tag) =	ssettag $0x2  }
0xb8: {  	s0 =	rddreg [dreg:$0x0];
	s2 =	stileid.u32  }
0xb9: {  	s1 =	rddreg [dreg:$0x1];
	p0 =	sne.s32 s2, $0x0  }
0xba: {  	s3 =	rddreg [dreg:$0x2];
	[bflag:$0x3] =	sbarrier.arrive $0xFFFF;
	s2 =	simm.s32 @!p0 $0x1C04  }
0xbb: {  	[timem:s3], [sflag:s2] =	dma.local @!p0 [hbm:s0], s1  }
0xbc: {  	s0 =	simm.s32 @!p0 $0x4  }
0xbd: {  	_ =	swait.ge @!p0 [sflag:s0], s1  }
0xbe: {  	s1 =	ssub.s32 @!p0 $0x0, s1;
	[sflag:s0] =	ssyncset.done @!p0 $0x0  }
0xbf: {  	[sflag:s0] =	ssyncadd.s32 @!p0 s1  }
0xc0: {  	[bflag:$0x3] =	sbarrier.arrive $0xFFFF  }
0xc1: {  	_ =	shalt  }

</sc_bundles>
